<compile_context>
chip_gen: v7x
topology: tpu7x:2x2x1
jax: 0.10.2.dev20260603
libtpu: 0.0.44.dev20260713+nightly
codegen_flags: <defaults>
</compile_context>

<pallas_src>
import functools

import jax
import jax.numpy as jnp
from jax import lax
from jax.experimental import pallas as pl
from jax.experimental.pallas import tpu as pltpu
from jax.experimental.pallas import tpu_sc as plsc

N_TOKENS = 771
DIM = 512
NUM_SPATIAL = 256

STRIDE = 24
ROWS = 32
NSLOT = 3
LANES = 16


def _bias_body(te_ref, sp_ref, gl_ref, out_ref):
    te = te_ref[...]
    sp = sp_ref[0]
    gl = gl_ref[0]
    bias = jnp.concatenate(
        [
            te[0:1] + gl[0:1],
            te[1:2] + gl[1:2],
            te[2:3] + sp,
            te[3:4] + sp,
            te[4:5] + gl[2:3],
            te[5:6] + sp,
        ],
        axis=0,
    )
    out_ref[...] = bias


def _sc_body(tok_hbm, bias_hbm, out_hbm, bias_buf, tok_buf, in_sems, out_sems):
    B = tok_hbm.shape[0]
    num_cores = plsc.get_sparse_core_info().num_cores
    wid = lax.axis_index("s") * num_cores + lax.axis_index("c")
    start = wid * STRIDE

    pltpu.sync_copy(bias_hbm.at[pl.ds(start, ROWS)], bias_buf)

    def in_copy(b, slot):
        return pltpu.make_async_copy(
            tok_hbm.at[b, pl.ds(start, ROWS)], tok_buf.at[slot], in_sems.at[slot]
        )

    def out_copy(b, slot):
        return pltpu.make_async_copy(
            tok_buf.at[slot], out_hbm.at[b, pl.ds(start, ROWS)], out_sems.at[slot]
        )

    for p in range(NSLOT):
        in_copy(p, p).start()

    def step(b, _):
        slot = lax.rem(b, NSLOT)
        in_copy(b, slot).wait()

        @plsc.parallel_loop(0, ROWS, unroll=4)
        def _(r):
            for j in range(DIM // LANES):
                breg = bias_buf[r, pl.ds(j * LANES, LANES)]
                plsc.addupdate(tok_buf.at[slot, r, pl.ds(j * LANES, LANES)], breg)

        out_copy(b, slot).start()

        @pl.when(jnp.logical_and(b >= 1, b - 1 + NSLOT < B))
        def _():
            prev = lax.rem(b - 1, NSLOT)
            out_copy(b - 1, prev).wait()
            in_copy(b - 1 + NSLOT, prev).start()

        return 0

    lax.fori_loop(0, B, step, 0)

    for t in range(B - NSLOT, B):
        out_copy(t, t % NSLOT).wait()


def kernel(tokens, type_embedding, spatial_pos_embedding, global_pos_embedding):
    B, N, D = tokens.shape

    bias = pl.pallas_call(
        _bias_body,
        out_shape=jax.ShapeDtypeStruct((N, D), tokens.dtype),
    )(type_embedding, spatial_pos_embedding, global_pos_embedding)

    mesh = plsc.VectorSubcoreMesh(
        core_axis_name="c", subcore_axis_name="s", num_cores=2
    )
    sc_add = functools.partial(
        pl.kernel,
        mesh=mesh,
        out_type=jax.ShapeDtypeStruct((B, N, D), tokens.dtype),
        scratch_types=[
            pltpu.VMEM((ROWS, D), tokens.dtype),
            pltpu.VMEM((NSLOT, ROWS, D), tokens.dtype),
            pltpu.SemaphoreType.DMA((NSLOT,)),
            pltpu.SemaphoreType.DMA((NSLOT,)),
        ],
    )(_sc_body)
    return sc_add(tokens, bias)

# --- scband reference (transcript-rebuilt; emitter-appended) ---
"""Pipeline reference for scband-goal-positional-encoding-25503515803689 (READ-ONLY COPY).

The authoritative reference and input builder live on the scoring server;
editing this copy changes nothing except your own understanding.
"""

import jax, jax.numpy as jnp
import numpy as np

DIM = 512
IMG_SIZE = 64
PATCH = 4
NUM_SPATIAL = (IMG_SIZE // PATCH) ** 2  # 256
N_TOKENS = 771


def setup_inputs(seed: int = 0) -> dict:
    key = jax.random.key(seed)
    k1, k2, k3, k4 = jax.random.split(key, 4)
    tokens = jax.random.normal(k1, (64, N_TOKENS, DIM), dtype=jnp.float32)
    type_embedding = jax.random.normal(k2, (6, DIM), dtype=jnp.float32)
    spatial_pos_embedding = jax.random.normal(k3, (1, NUM_SPATIAL, DIM), dtype=jnp.float32) * 0.02
    global_pos_embedding = jax.random.normal(k4, (1, 3, DIM), dtype=jnp.float32) * 0.02
    return {
        "tokens": tokens,
        "type_embedding": type_embedding,
        "spatial_pos_embedding": spatial_pos_embedding,
        "global_pos_embedding": global_pos_embedding,
    }


def _make_type_ids(n):
    type_ids = np.zeros(n, dtype=np.int64)
    type_ids[0] = 0
    type_ids[1] = 1
    type_ids[2:258] = 2
    type_ids[258:514] = 3
    type_ids[514] = 4
    type_ids[515:771] = 5
    return jnp.asarray(type_ids)


def reference(tokens, type_embedding, spatial_pos_embedding, global_pos_embedding):
    B, N, D = tokens.shape
    type_ids = _make_type_ids(N)
    type_emb = jnp.take(type_embedding, type_ids, axis=0)[None, :, :]  # (1, N, D)
    tokens = tokens + type_emb
    tokens = tokens.at[:, 0:1].add(global_pos_embedding[:, 0:1])
    tokens = tokens.at[:, 1:2].add(global_pos_embedding[:, 1:2])
    tokens = tokens.at[:, 514:515].add(global_pos_embedding[:, 2:3])
    tokens = tokens.at[:, 2:258].add(spatial_pos_embedding)
    tokens = tokens.at[:, 258:514].add(spatial_pos_embedding)
    tokens = tokens.at[:, 515:771].add(spatial_pos_embedding)
    return tokens

if __name__ == "__main__":
    import jax
    _d = setup_inputs()
    print(jax.jit(kernel)(*tuple(_d.values())))

</pallas_src>

<mosaic_0001>
#map = affine_map<(d0, d1) -> (0, 0, 0)>
#map1 = affine_map<(d0, d1) -> (0, 0)>
module attributes {stable_mosaic.version = 14 : i64} {
  func.func @_sc_body(%arg0: i32, %arg1: i32, %arg2: memref<64x771x512xf32, #tpu.memory_space<hbm>>, %arg3: memref<771x512xf32, #tpu.memory_space<hbm>>, %arg4: memref<64x771x512xf32, #tpu.memory_space<hbm>>, %arg5: memref<32x512xf32, #tpu.memory_space<vmem>>, %arg6: memref<3x32x512xf32, #tpu.memory_space<vmem>>, %arg7: memref<3x!tpu.dma_semaphore, #tpu.memory_space<semaphore_mem>>, %arg8: memref<3x!tpu.dma_semaphore, #tpu.memory_space<semaphore_mem>>) attributes {dimension_semantics = [#tpu.dimension_semantics<core_parallel>, #tpu.dimension_semantics<subcore_parallel>], iteration_bounds = array<i64: 2, 16>, scalar_prefetch = 0 : i64, scratch_operands = 4 : i64, tpu.core_type = #tpu.core_type<sc_vector_subcore>, window_params = [{transform_indices = #map}, {transform_indices = #map1}, {transform_indices = #map}]} {
    %mul3A = arith.constant 2 : i32
    %mul3A_0 = arith.muli %arg1, %mul3A : i32
    %add3A = arith.addi %mul3A_0, %arg0 : i32
    %mul3A_1 = arith.constant 24 : i32
    %mul3A_2 = arith.muli %add3A, %mul3A_1 : i32
    "tpu.region"() ({
      %run_scoped3A = tpu.sem_alloc : memref<!tpu.dma_semaphore, #tpu.memory_space<semaphore_mem>>
      %dma_start3A_121 = arith.constant 0 : i32
      %dma_start3A_122 = tpu.memref_slice %arg3[%mul3A_2, %dma_start3A_121] : memref<771x512xf32, #tpu.memory_space<hbm>> -> memref<32x512xf32, #tpu.memory_space<hbm>>
      %dma_start3A_123 = arith.constant 0 : i32
      %dma_start3A_124 = tpu.memref_slice %arg3[%mul3A_2, %dma_start3A_123] : memref<771x512xf32, #tpu.memory_space<hbm>> -> memref<32x512xf32, #tpu.memory_space<hbm>>
      tpu.enqueue_dma source(%dma_start3A_124 : memref<32x512xf32, #tpu.memory_space<hbm>>) target(%arg5 : memref<32x512xf32, #tpu.memory_space<vmem>>) target_semaphore(%run_scoped3A : memref<!tpu.dma_semaphore, #tpu.memory_space<semaphore_mem>>)
      %dma_wait3A_125 = arith.constant 0 : i32
      %dma_wait3A_126 = tpu.memref_slice %arg3[%mul3A_2, %dma_wait3A_125] : memref<771x512xf32, #tpu.memory_space<hbm>> -> memref<32x512xf32, #tpu.memory_space<hbm>>
      %dma_wait3A_127 = arith.constant 0 : i32
      %dma_wait3A_128 = tpu.memref_slice %arg3[%mul3A_2, %dma_wait3A_127] : memref<771x512xf32, #tpu.memory_space<hbm>> -> memref<32x512xf32, #tpu.memory_space<hbm>>
      tpu.wait_dma2 semaphore(%run_scoped3A : memref<!tpu.dma_semaphore, #tpu.memory_space<semaphore_mem>>) src(%dma_wait3A_128 : memref<32x512xf32, #tpu.memory_space<hbm>>) dst(%arg5 : memref<32x512xf32, #tpu.memory_space<vmem>>)
      tpu.yield
    }) : () -> ()
    %dma_start3A = arith.constant 0 : i32
    %dma_start3A_3 = arith.constant 0 : i32
    %dma_start3A_4 = arith.constant 0 : i32
    %dma_start3A_5 = arith.constant 0 : i32
    %dma_start3A_6 = arith.constant 0 : i32
    %dma_start3A_7 = tpu.memref_slice %arg6[%dma_start3A_3, %dma_start3A_5, %dma_start3A_6] : memref<3x32x512xf32, #tpu.memory_space<vmem>> -> memref<1x32x512xf32, #tpu.memory_space<vmem>>
    %dma_start3A_8 = tpu.memref_squeeze %dma_start3A_7 : memref<1x32x512xf32, #tpu.memory_space<vmem>> -> memref<32x512xf32, #tpu.memory_space<vmem>>
    %dma_start3A_9 = arith.constant 0 : i32
    %dma_start3A_10 = tpu.memref_slice %arg2[%dma_start3A, %mul3A_2, %dma_start3A_9] : memref<64x771x512xf32, #tpu.memory_space<hbm>> -> memref<1x32x512xf32, #tpu.memory_space<hbm>>
    %dma_start3A_11 = tpu.memref_squeeze %dma_start3A_10 : memref<1x32x512xf32, #tpu.memory_space<hbm>> -> memref<32x512xf32, #tpu.memory_space<hbm>>
    %dma_start3A_12 = tpu.memref_slice %arg7[%dma_start3A_4] : memref<3x!tpu.dma_semaphore, #tpu.memory_space<semaphore_mem>> -> memref<1x!tpu.dma_semaphore, #tpu.memory_space<semaphore_mem>>
    %dma_start3A_13 = tpu.memref_squeeze %dma_start3A_12 : memref<1x!tpu.dma_semaphore, #tpu.memory_space<semaphore_mem>> -> memref<!tpu.dma_semaphore, #tpu.memory_space<semaphore_mem>>
    %dma_start3A_14 = arith.constant 0 : i32
    %dma_start3A_15 = arith.constant 0 : i32
    %dma_start3A_16 = tpu.memref_slice %arg6[%dma_start3A_3, %dma_start3A_14, %dma_start3A_15] : memref<3x32x512xf32, #tpu.memory_space<vmem>> -> memref<1x32x512xf32, #tpu.memory_space<vmem>>
    %dma_start3A_17 = tpu.memref_squeeze %dma_start3A_16 : memref<1x32x512xf32, #tpu.memory_space<vmem>> -> memref<32x512xf32, #tpu.memory_space<vmem>>
    %dma_start3A_18 = arith.constant 0 : i32
    %dma_start3A_19 = tpu.memref_slice %arg2[%dma_start3A, %mul3A_2, %dma_start3A_18] : memref<64x771x512xf32, #tpu.memory_space<hbm>> -> memref<1x32x512xf32, #tpu.memory_space<hbm>>
    %dma_start3A_20 = tpu.memref_squeeze %dma_start3A_19 : memref<1x32x512xf32, #tpu.memory_space<hbm>> -> memref<32x512xf32, #tpu.memory_space<hbm>>
    tpu.enqueue_dma source(%dma_start3A_20 : memref<32x512xf32, #tpu.memory_space<hbm>>) target(%dma_start3A_17 : memref<32x512xf32, #tpu.memory_space<vmem>>) target_semaphore(%dma_start3A_13 : memref<!tpu.dma_semaphore, #tpu.memory_space<semaphore_mem>>)
    %dma_start3A_21 = arith.constant 1 : i32
    %dma_start3A_22 = arith.constant 1 : i32
    %dma_start3A_23 = arith.constant 1 : i32
    %dma_start3A_24 = arith.constant 0 : i32
    %dma_start3A_25 = arith.constant 0 : i32
    %dma_start3A_26 = tpu.memref_slice %arg6[%dma_start3A_22, %dma_start3A_24, %dma_start3A_25] : memref<3x32x512xf32, #tpu.memory_space<vmem>> -> memref<1x32x512xf32, #tpu.memory_space<vmem>>
    %dma_start3A_27 = tpu.memref_squeeze %dma_start3A_26 : memref<1x32x512xf32, #tpu.memory_space<vmem>> -> memref<32x512xf32, #tpu.memory_space<vmem>>
    %dma_start3A_28 = arith.constant 0 : i32
    %dma_start3A_29 = tpu.memref_slice %arg2[%dma_start3A_21, %mul3A_2, %dma_start3A_28] : memref<64x771x512xf32, #tpu.memory_space<hbm>> -> memref<1x32x512xf32, #tpu.memory_space<hbm>>
    %dma_start3A_30 = tpu.memref_squeeze %dma_start3A_29 : memref<1x32x512xf32, #tpu.memory_space<hbm>> -> memref<32x512xf32, #tpu.memory_space<hbm>>
    %dma_start3A_31 = tpu.memref_slice %arg7[%dma_start3A_23] : memref<3x!tpu.dma_semaphore, #tpu.memory_space<semaphore_mem>> -> memref<1x!tpu.dma_semaphore, #tpu.memory_space<semaphore_mem>>
    %dma_start3A_32 = tpu.memref_squeeze %dma_start3A_31 : memref<1x!tpu.dma_semaphore, #tpu.memory_space<semaphore_mem>> -> memref<!tpu.dma_semaphore, #tpu.memory_space<semaphore_mem>>
    %dma_start3A_33 = arith.constant 0 : i32
    %dma_start3A_34 = arith.constant 0 : i32
    %dma_start3A_35 = tpu.memref_slice %arg6[%dma_start3A_22, %dma_start3A_33, %dma_start3A_34] : memref<3x32x512xf32, #tpu.memory_space<vmem>> -> memref<1x32x512xf32, #tpu.memory_space<vmem>>
    %dma_start3A_36 = tpu.memref_squeeze %dma_start3A_35 : memref<1x32x512xf32, #tpu.memory_space<vmem>> -> memref<32x512xf32, #tpu.memory_space<vmem>>
    %dma_start3A_37 = arith.constant 0 : i32
    %dma_start3A_38 = tpu.memref_slice %arg2[%dma_start3A_21, %mul3A_2, %dma_start3A_37] : memref<64x771x512xf32, #tpu.memory_space<hbm>> -> memref<1x32x512xf32, #tpu.memory_space<hbm>>
    %dma_start3A_39 = tpu.memref_squeeze %dma_start3A_38 : memref<1x32x512xf32, #tpu.memory_space<hbm>> -> memref<32x512xf32, #tpu.memory_space<hbm>>
    tpu.enqueue_dma source(%dma_start3A_39 : memref<32x512xf32, #tpu.memory_space<hbm>>) target(%dma_start3A_36 : memref<32x512xf32, #tpu.memory_space<vmem>>) target_semaphore(%dma_start3A_32 : memref<!tpu.dma_semaphore, #tpu.memory_space<semaphore_mem>>)
    %dma_start3A_40 = arith.constant 2 : i32
    %dma_start3A_41 = arith.constant 2 : i32
    %dma_start3A_42 = arith.constant 2 : i32
    %dma_start3A_43 = arith.constant 0 : i32
    %dma_start3A_44 = arith.constant 0 : i32
    %dma_start3A_45 = tpu.memref_slice %arg6[%dma_start3A_41, %dma_start3A_43, %dma_start3A_44] : memref<3x32x512xf32, #tpu.memory_space<vmem>> -> memref<1x32x512xf32, #tpu.memory_space<vmem>>
    %dma_start3A_46 = tpu.memref_squeeze %dma_start3A_45 : memref<1x32x512xf32, #tpu.memory_space<vmem>> -> memref<32x512xf32, #tpu.memory_space<vmem>>
    %dma_start3A_47 = arith.constant 0 : i32
    %dma_start3A_48 = tpu.memref_slice %arg2[%dma_start3A_40, %mul3A_2, %dma_start3A_47] : memref<64x771x512xf32, #tpu.memory_space<hbm>> -> memref<1x32x512xf32, #tpu.memory_space<hbm>>
    %dma_start3A_49 = tpu.memref_squeeze %dma_start3A_48 : memref<1x32x512xf32, #tpu.memory_space<hbm>> -> memref<32x512xf32, #tpu.memory_space<hbm>>
    %dma_start3A_50 = tpu.memref_slice %arg7[%dma_start3A_42] : memref<3x!tpu.dma_semaphore, #tpu.memory_space<semaphore_mem>> -> memref<1x!tpu.dma_semaphore, #tpu.memory_space<semaphore_mem>>
    %dma_start3A_51 = tpu.memref_squeeze %dma_start3A_50 : memref<1x!tpu.dma_semaphore, #tpu.memory_space<semaphore_mem>> -> memref<!tpu.dma_semaphore, #tpu.memory_space<semaphore_mem>>
    %dma_start3A_52 = arith.constant 0 : i32
    %dma_start3A_53 = arith.constant 0 : i32
    %dma_start3A_54 = tpu.memref_slice %arg6[%dma_start3A_41, %dma_start3A_52, %dma_start3A_53] : memref<3x32x512xf32, #tpu.memory_space<vmem>> -> memref<1x32x512xf32, #tpu.memory_space<vmem>>
    %dma_start3A_55 = tpu.memref_squeeze %dma_start3A_54 : memref<1x32x512xf32, #tpu.memory_space<vmem>> -> memref<32x512xf32, #tpu.memory_space<vmem>>
    %dma_start3A_56 = arith.constant 0 : i32
    %dma_start3A_57 = tpu.memref_slice %arg2[%dma_start3A_40, %mul3A_2, %dma_start3A_56] : memref<64x771x512xf32, #tpu.memory_space<hbm>> -> memref<1x32x512xf32, #tpu.memory_space<hbm>>
    %dma_start3A_58 = tpu.memref_squeeze %dma_start3A_57 : memref<1x32x512xf32, #tpu.memory_space<hbm>> -> memref<32x512xf32, #tpu.memory_space<hbm>>
    tpu.enqueue_dma source(%dma_start3A_58 : memref<32x512xf32, #tpu.memory_space<hbm>>) target(%dma_start3A_55 : memref<32x512xf32, #tpu.memory_space<vmem>>) target_semaphore(%dma_start3A_51 : memref<!tpu.dma_semaphore, #tpu.memory_space<semaphore_mem>>)
    %scan3A = arith.constant 0 : i32
    %scan3A_59 = arith.constant 0 : i32
    %scan3A_60 = arith.constant 64 : i32
    %scan3A_61 = arith.addi %scan3A_59, %scan3A_60 : i32
    %scan3A_62 = arith.constant 1 : i32
    %scan3A_63 = scf.for %scan3A_121 = %scan3A_59 to %scan3A_61 step %scan3A_62 iter_args(%scan3A_122 = %scan3A) -> (i32)  : i32 {
      %rem3A = arith.constant 3 : i32
      %rem3A_123 = arith.remsi %scan3A_121, %rem3A : i32
      %dma_wait3A_124 = arith.constant 0 : i32
      %dma_wait3A_125 = arith.constant 0 : i32
      %dma_wait3A_126 = tpu.memref_slice %arg6[%rem3A_123, %dma_wait3A_124, %dma_wait3A_125] : memref<3x32x512xf32, #tpu.memory_space<vmem>> -> memref<1x32x512xf32, #tpu.memory_space<vmem>>
      %dma_wait3A_127 = tpu.memref_squeeze %dma_wait3A_126 : memref<1x32x512xf32, #tpu.memory_space<vmem>> -> memref<32x512xf32, #tpu.memory_space<vmem>>
      %dma_wait3A_128 = arith.constant 0 : i32
      %dma_wait3A_129 = tpu.memref_slice %arg2[%scan3A_121, %mul3A_2, %dma_wait3A_128] : memref<64x771x512xf32, #tpu.memory_space<hbm>> -> memref<1x32x512xf32, #tpu.memory_space<hbm>>
      %dma_wait3A_130 = tpu.memref_squeeze %dma_wait3A_129 : memref<1x32x512xf32, #tpu.memory_space<hbm>> -> memref<32x512xf32, #tpu.memory_space<hbm>>
      %dma_wait3A_131 = tpu.memref_slice %arg7[%rem3A_123] : memref<3x!tpu.dma_semaphore, #tpu.memory_space<semaphore_mem>> -> memref<1x!tpu.dma_semaphore, #tpu.memory_space<semaphore_mem>>
      %dma_wait3A_132 = tpu.memref_squeeze %dma_wait3A_131 : memref<1x!tpu.dma_semaphore, #tpu.memory_space<semaphore_mem>> -> memref<!tpu.dma_semaphore, #tpu.memory_space<semaphore_mem>>
      %dma_wait3A_133 = arith.constant 0 : i32
      %dma_wait3A_134 = arith.constant 0 : i32
      %dma_wait3A_135 = tpu.memref_slice %arg6[%rem3A_123, %dma_wait3A_133, %dma_wait3A_134] : memref<3x32x512xf32, #tpu.memory_space<vmem>> -> memref<1x32x512xf32, #tpu.memory_space<vmem>>
      %dma_wait3A_136 = tpu.memref_squeeze %dma_wait3A_135 : memref<1x32x512xf32, #tpu.memory_space<vmem>> -> memref<32x512xf32, #tpu.memory_space<vmem>>
      %dma_wait3A_137 = arith.constant 0 : i32
      %dma_wait3A_138 = tpu.memref_slice %arg2[%scan3A_121, %mul3A_2, %dma_wait3A_137] : memref<64x771x512xf32, #tpu.memory_space<hbm>> -> memref<1x32x512xf32, #tpu.memory_space<hbm>>
      %dma_wait3A_139 = tpu.memref_squeeze %dma_wait3A_138 : memref<1x32x512xf32, #tpu.memory_space<hbm>> -> memref<32x512xf32, #tpu.memory_space<hbm>>
      tpu.wait_dma2 semaphore(%dma_wait3A_132 : memref<!tpu.dma_semaphore, #tpu.memory_space<semaphore_mem>>) src(%dma_wait3A_139 : memref<32x512xf32, #tpu.memory_space<hbm>>) dst(%dma_wait3A_136 : memref<32x512xf32, #tpu.memory_space<vmem>>)
      %parallel_loop3A = arith.constant 0 : i32
      %parallel_loop3A_140 = arith.constant 32 : i32
      %parallel_loop3A_141 = arith.constant 1 : i32
      scf.for %parallel_loop3A_165 = %parallel_loop3A to %parallel_loop3A_140 step %parallel_loop3A_141  : i32 {
        %parallel_loop3A_166 = arith.index_cast %parallel_loop3A_165 : i32 to index
        %parallel_loop3A_167 = arith.constant 0 : index
        %parallel_loop3A_168 = tpu.vector_load %arg5[%parallel_loop3A_166, %parallel_loop3A_167] {strides = array<i32>} : memref<32x512xf32, #tpu.memory_space<vmem>>, vector<1x16xf32>,
        %parallel_loop3A_169 = vector.shape_cast %parallel_loop3A_168 : vector<1x16xf32> to vector<16xf32>
        %parallel_loop3A_170 = arith.index_cast %rem3A_123 : i32 to index
        %parallel_loop3A_171 = arith.index_cast %parallel_loop3A_165 : i32 to index
        %parallel_loop3A_172 = arith.constant 0 : index
        %parallel_loop3A_173 = tpu.vector_load %arg6[%parallel_loop3A_170, %parallel_loop3A_171, %parallel_loop3A_172] {strides = array<i32>} : memref<3x32x512xf32, #tpu.memory_space<vmem>>, vector<1x1x16xf32>,
        %parallel_loop3A_174 = vector.shape_cast %parallel_loop3A_173 : vector<1x1x16xf32> to vector<16xf32>
        %parallel_loop3A_175 = vector.shape_cast %parallel_loop3A_169 : vector<16xf32> to vector<1x1x16xf32>
        tpu.vector_store %arg6[%parallel_loop3A_170, %parallel_loop3A_171, %parallel_loop3A_172], %parallel_loop3A_175 {add = true, strides = array<i32>} : memref<3x32x512xf32, #tpu.memory_space<vmem>>, vector<1x1x16xf32>,
        %parallel_loop3A_176 = arith.index_cast %parallel_loop3A_165 : i32 to index
        %parallel_loop3A_177 = arith.constant 16 : index
        %parallel_loop3A_178 = tpu.vector_load %arg5[%parallel_loop3A_176, %parallel_loop3A_177] {strides = array<i32>} : memref<32x512xf32, #tpu.memory_space<vmem>>, vector<1x16xf32>,
        %parallel_loop3A_179 = vector.shape_cast %parallel_loop3A_178 : vector<1x16xf32> to vector<16xf32>
        %parallel_loop3A_180 = arith.index_cast %rem3A_123 : i32 to index
        %parallel_loop3A_181 = arith.index_cast %parallel_loop3A_165 : i32 to index
        %parallel_loop3A_182 = arith.constant 16 : index
        %parallel_loop3A_183 = tpu.vector_load %arg6[%parallel_loop3A_180, %parallel_loop3A_181, %parallel_loop3A_182] {strides = array<i32>} : memref<3x32x512xf32, #tpu.memory_space<vmem>>, vector<1x1x16xf32>,
        %parallel_loop3A_184 = vector.shape_cast %parallel_loop3A_183 : vector<1x1x16xf32> to vector<16xf32>
        %parallel_loop3A_185 = vector.shape_cast %parallel_loop3A_179 : vector<16xf32> to vector<1x1x16xf32>
        tpu.vector_store %arg6[%parallel_loop3A_180, %parallel_loop3A_181, %parallel_loop3A_182], %parallel_loop3A_185 {add = true, strides = array<i32>} : memref<3x32x512xf32, #tpu.memory_space<vmem>>, vector<1x1x16xf32>,
        %parallel_loop3A_186 = arith.index_cast %parallel_loop3A_165 : i32 to index
        %parallel_loop3A_187 = arith.constant 32 : index
        %parallel_loop3A_188 = tpu.vector_load %arg5[%parallel_loop3A_186, %parallel_loop3A_187] {strides = array<i32>} : memref<32x512xf32, #tpu.memory_space<vmem>>, vector<1x16xf32>,
        %parallel_loop3A_189 = vector.shape_cast %parallel_loop3A_188 : vector<1x16xf32> to vector<16xf32>
        %parallel_loop3A_190 = arith.index_cast %rem3A_123 : i32 to index
        %parallel_loop3A_191 = arith.index_cast %parallel_loop3A_165 : i32 to index
        %parallel_loop3A_192 = arith.constant 32 : index
        %parallel_loop3A_193 = tpu.vector_load %arg6[%parallel_loop3A_190, %parallel_loop3A_191, %parallel_loop3A_192] {strides = array<i32>} : memref<3x32x512xf32, #tpu.memory_space<vmem>>, vector<1x1x16xf32>,
        %parallel_loop3A_194 = vector.shape_cast %parallel_loop3A_193 : vector<1x1x16xf32> to vector<16xf32>
        %parallel_loop3A_195 = vector.shape_cast %parallel_loop3A_189 : vector<16xf32> to vector<1x1x16xf32>
        tpu.vector_store %arg6[%parallel_loop3A_190, %parallel_loop3A_191, %parallel_loop3A_192], %parallel_loop3A_195 {add = true, strides = array<i32>} : memref<3x32x512xf32, #tpu.memory_space<vmem>>, vector<1x1x16xf32>,
        %parallel_loop3A_196 = arith.index_cast %parallel_loop3A_165 : i32 to index
        %parallel_loop3A_197 = arith.constant 48 : index
        %parallel_loop3A_198 = tpu.vector_load %arg5[%parallel_loop3A_196, %parallel_loop3A_197] {strides = array<i32>} : memref<32x512xf32, #tpu.memory_space<vmem>>, vector<1x16xf32>,
        %parallel_loop3A_199 = vector.shape_cast %parallel_loop3A_198 : vector<1x16xf32> to vector<16xf32>
        %parallel_loop3A_200 = arith.index_cast %rem3A_123 : i32 to index
        %parallel_loop3A_201 = arith.index_cast %parallel_loop3A_165 : i32 to index
        %parallel_loop3A_202 = arith.constant 48 : index
        %parallel_loop3A_203 = tpu.vector_load %arg6[%parallel_loop3A_200, %parallel_loop3A_201, %parallel_loop3A_202] {strides = array<i32>} : memref<3x32x512xf32, #tpu.memory_space<vmem>>, vector<1x1x16xf32>,
        %parallel_loop3A_204 = vector.shape_cast %parallel_loop3A_203 : vector<1x1x16xf32> to vector<16xf32>
        %parallel_loop3A_205 = vector.shape_cast %parallel_loop3A_199 : vector<16xf32> to vector<1x1x16xf32>
        tpu.vector_store %arg6[%parallel_loop3A_200, %parallel_loop3A_201, %parallel_loop3A_202], %parallel_loop3A_205 {add = true, strides = array<i32>} : memref<3x32x512xf32, #tpu.memory_space<vmem>>, vector<1x1x16xf32>,
        %parallel_loop3A_206 = arith.index_cast %parallel_loop3A_165 : i32 to index
        %parallel_loop3A_207 = arith.constant 64 : index
        %parallel_loop3A_208 = tpu.vector_load %arg5[%parallel_loop3A_206, %parallel_loop3A_207] {strides = array<i32>} : memref<32x512xf32, #tpu.memory_space<vmem>>, vector<1x16xf32>,
        %parallel_loop3A_209 = vector.shape_cast %parallel_loop3A_208 : vector<1x16xf32> to vector<16xf32>
        %parallel_loop3A_210 = arith.index_cast %rem3A_123 : i32 to index
        %parallel_loop3A_211 = arith.index_cast %parallel_loop3A_165 : i32 to index
        %parallel_loop3A_212 = arith.constant 64 : index
        %parallel_loop3A_213 = tpu.vector_load %arg6[%parallel_loop3A_210, %parallel_loop3A_211, %parallel_loop3A_212] {strides = array<i32>} : memref<3x32x512xf32, #tpu.memory_space<vmem>>, vector<1x1x16xf32>,
        %parallel_loop3A_214 = vector.shape_cast %parallel_loop3A_213 : vector<1x1x16xf32> to vector<16xf32>
        %parallel_loop3A_215 = vector.shape_cast %parallel_loop3A_209 : vector<16xf32> to vector<1x1x16xf32>
        tpu.vector_store %arg6[%parallel_loop3A_210, %parallel_loop3A_211, %parallel_loop3A_212], %parallel_loop3A_215 {add = true, strides = array<i32>} : memref<3x32x512xf32, #tpu.memory_space<vmem>>, vector<1x1x16xf32>,
        %parallel_loop3A_216 = arith.index_cast %parallel_loop3A_165 : i32 to index
        %parallel_loop3A_217 = arith.constant 80 : index
        %parallel_loop3A_218 = tpu.vector_load %arg5[%parallel_loop3A_216, %parallel_loop3A_217] {strides = array<i32>} : memref<32x512xf32, #tpu.memory_space<vmem>>, vector<1x16xf32>,
        %parallel_loop3A_219 = vector.shape_cast %parallel_loop3A_218 : vector<1x16xf32> to vector<16xf32>
        %parallel_loop3A_220 = arith.index_cast %rem3A_123 : i32 to index
        %parallel_loop3A_221 = arith.index_cast %parallel_loop3A_165 : i32 to index
        %parallel_loop3A_222 = arith.constant 80 : index
        %parallel_loop3A_223 = tpu.vector_load %arg6[%parallel_loop3A_220, %parallel_loop3A_221, %parallel_loop3A_222] {strides = array<i32>} : memref<3x32x512xf32, #tpu.memory_space<vmem>>, vector<1x1x16xf32>,
        %parallel_loop3A_224 = vector.shape_cast %parallel_loop3A_223 : vector<1x1x16xf32> to vector<16xf32>
        %parallel_loop3A_225 = vector.shape_cast %parallel_loop3A_219 : vector<16xf32> to vector<1x1x16xf32>
        tpu.vector_store %arg6[%parallel_loop3A_220, %parallel_loop3A_221, %parallel_loop3A_222], %parallel_loop3A_225 {add = true, strides = array<i32>} : memref<3x32x512xf32, #tpu.memory_space<vmem>>, vector<1x1x16xf32>,
        %parallel_loop3A_226 = arith.index_cast %parallel_loop3A_165 : i32 to index
        %parallel_loop3A_227 = arith.constant 96 : index
        %parallel_loop3A_228 = tpu.vector_load %arg5[%parallel_loop3A_226, %parallel_loop3A_227] {strides = array<i32>} : memref<32x512xf32, #tpu.memory_space<vmem>>, vector<1x16xf32>,
        %parallel_loop3A_229 = vector.shape_cast %parallel_loop3A_228 : vector<1x16xf32> to vector<16xf32>
        %parallel_loop3A_230 = arith.index_cast %rem3A_123 : i32 to index
        %parallel_loop3A_231 = arith.index_cast %parallel_loop3A_165 : i32 to index
        %parallel_loop3A_232 = arith.constant 96 : index
        %parallel_loop3A_233 = tpu.vector_load %arg6[%parallel_loop3A_230, %parallel_loop3A_231, %parallel_loop3A_232] {strides = array<i32>} : memref<3x32x512xf32, #tpu.memory_space<vmem>>, vector<1x1x16xf32>,
        %parallel_loop3A_234 = vector.shape_cast %parallel_loop3A_233 : vector<1x1x16xf32> to vector<16xf32>
        %parallel_loop3A_235 = vector.shape_cast %parallel_loop3A_229 : vector<16xf32> to vector<1x1x16xf32>
        tpu.vector_store %arg6[%parallel_loop3A_230, %parallel_loop3A_231, %parallel_loop3A_232], %parallel_loop3A_235 {add = true, strides = array<i32>} : memref<3x32x512xf32, #tpu.memory_space<vmem>>, vector<1x1x16xf32>,
        %parallel_loop3A_236 = arith.index_cast %parallel_loop3A_165 : i32 to index
        %parallel_loop3A_237 = arith.constant 112 : index
        %parallel_loop3A_238 = tpu.vector_load %arg5[%parallel_loop3A_236, %parallel_loop3A_237] {strides = array<i32>} : memref<32x512xf32, #tpu.memory_space<vmem>>, vector<1x16xf32>,
        %parallel_loop3A_239 = vector.shape_cast %parallel_loop3A_238 : vector<1x16xf32> to vector<16xf32>
        %parallel_loop3A_240 = arith.index_cast %rem3A_123 : i32 to index
        %parallel_loop3A_241 = arith.index_cast %parallel_loop3A_165 : i32 to index
        %parallel_loop3A_242 = arith.constant 112 : index
        %parallel_loop3A_243 = tpu.vector_load %arg6[%parallel_loop3A_240, %parallel_loop3A_241, %parallel_loop3A_242] {strides = array<i32>} : memref<3x32x512xf32, #tpu.memory_space<vmem>>, vector<1x1x16xf32>,
        %parallel_loop3A_244 = vector.shape_cast %parallel_loop3A_243 : vector<1x1x16xf32> to vector<16xf32>
        %parallel_loop3A_245 = vector.shape_cast %parallel_loop3A_239 : vector<16xf32> to vector<1x1x16xf32>
        tpu.vector_store %arg6[%parallel_loop3A_240, %parallel_loop3A_241, %parallel_loop3A_242], %parallel_loop3A_245 {add = true, strides = array<i32>} : memref<3x32x512xf32, #tpu.memory_space<vmem>>, vector<1x1x16xf32>,
        %parallel_loop3A_246 = arith.index_cast %parallel_loop3A_165 : i32 to index
        %parallel_loop3A_247 = arith.constant 128 : index
        %parallel_loop3A_248 = tpu.vector_load %arg5[%parallel_loop3A_246, %parallel_loop3A_247] {strides = array<i32>} : memref<32x512xf32, #tpu.memory_space<vmem>>, vector<1x16xf32>,
        %parallel_loop3A_249 = vector.shape_cast %parallel_loop3A_248 : vector<1x16xf32> to vector<16xf32>
        %parallel_loop3A_250 = arith.index_cast %rem3A_123 : i32 to index
        %parallel_loop3A_251 = arith.index_cast %parallel_loop3A_165 : i32 to index
        %parallel_loop3A_252 = arith.constant 128 : index
        %parallel_loop3A_253 = tpu.vector_load %arg6[%parallel_loop3A_250, %parallel_loop3A_251, %parallel_loop3A_252] {strides = array<i32>} : memref<3x32x512xf32, #tpu.memory_space<vmem>>, vector<1x1x16xf32>,
        %parallel_loop3A_254 = vector.shape_cast %parallel_loop3A_253 : vector<1x1x16xf32> to vector<16xf32>
        %parallel_loop3A_255 = vector.shape_cast %parallel_loop3A_249 : vector<16xf32> to vector<1x1x16xf32>
        tpu.vector_store %arg6[%parallel_loop3A_250, %parallel_loop3A_251, %parallel_loop3A_252], %parallel_loop3A_255 {add = true, strides = array<i32>} : memref<3x32x512xf32, #tpu.memory_space<vmem>>, vector<1x1x16xf32>,
        %parallel_loop3A_256 = arith.index_cast %parallel_loop3A_165 : i32 to index
        %parallel_loop3A_257 = arith.constant 144 : index
        %parallel_loop3A_258 = tpu.vector_load %arg5[%parallel_loop3A_256, %parallel_loop3A_257] {strides = array<i32>} : memref<32x512xf32, #tpu.memory_space<vmem>>, vector<1x16xf32>,
        %parallel_loop3A_259 = vector.shape_cast %parallel_loop3A_258 : vector<1x16xf32> to vector<16xf32>
        %parallel_loop3A_260 = arith.index_cast %rem3A_123 : i32 to index
        %parallel_loop3A_261 = arith.index_cast %parallel_loop3A_165 : i32 to index
        %parallel_loop3A_262 = arith.constant 144 : index
        %parallel_loop3A_263 = tpu.vector_load %arg6[%parallel_loop3A_260, %parallel_loop3A_261, %parallel_loop3A_262] {strides = array<i32>} : memref<3x32x512xf32, #tpu.memory_space<vmem>>, vector<1x1x16xf32>,
        %parallel_loop3A_264 = vector.shape_cast %parallel_loop3A_263 : vector<1x1x16xf32> to vector<16xf32>
        %parallel_loop3A_265 = vector.shape_cast %parallel_loop3A_259 : vector<16xf32> to vector<1x1x16xf32>
        tpu.vector_store %arg6[%parallel_loop3A_260, %parallel_loop3A_261, %parallel_loop3A_262], %parallel_loop3A_265 {add = true, strides = array<i32>} : memref<3x32x512xf32, #tpu.memory_space<vmem>>, vector<1x1x16xf32>,
        %parallel_loop3A_266 = arith.index_cast %parallel_loop3A_165 : i32 to index
        %parallel_loop3A_267 = arith.constant 160 : index
        %parallel_loop3A_268 = tpu.vector_load %arg5[%parallel_loop3A_266, %parallel_loop3A_267] {strides = array<i32>} : memref<32x512xf32, #tpu.memory_space<vmem>>, vector<1x16xf32>,
        %parallel_loop3A_269 = vector.shape_cast %parallel_loop3A_268 : vector<1x16xf32> to vector<16xf32>
        %parallel_loop3A_270 = arith.index_cast %rem3A_123 : i32 to index
        %parallel_loop3A_271 = arith.index_cast %parallel_loop3A_165 : i32 to index
        %parallel_loop3A_272 = arith.constant 160 : index
        %parallel_loop3A_273 = tpu.vector_load %arg6[%parallel_loop3A_270, %parallel_loop3A_271, %parallel_loop3A_272] {strides = array<i32>} : memref<3x32x512xf32, #tpu.memory_space<vmem>>, vector<1x1x16xf32>,
        %parallel_loop3A_274 = vector.shape_cast %parallel_loop3A_273 : vector<1x1x16xf32> to vector<16xf32>
        %parallel_loop3A_275 = vector.shape_cast %parallel_loop3A_269 : vector<16xf32> to vector<1x1x16xf32>
        tpu.vector_store %arg6[%parallel_loop3A_270, %parallel_loop3A_271, %parallel_loop3A_272], %parallel_loop3A_275 {add = true, strides = array<i32>} : memref<3x32x512xf32, #tpu.memory_space<vmem>>, vector<1x1x16xf32>,
        %parallel_loop3A_276 = arith.index_cast %parallel_loop3A_165 : i32 to index
        %parallel_loop3A_277 = arith.constant 176 : index
        %parallel_loop3A_278 = tpu.vector_load %arg5[%parallel_loop3A_276, %parallel_loop3A_277] {strides = array<i32>} : memref<32x512xf32, #tpu.memory_space<vmem>>, vector<1x16xf32>,
        %parallel_loop3A_279 = vector.shape_cast %parallel_loop3A_278 : vector<1x16xf32> to vector<16xf32>
        %parallel_loop3A_280 = arith.index_cast %rem3A_123 : i32 to index
        %parallel_loop3A_281 = arith.index_cast %parallel_loop3A_165 : i32 to index
        %parallel_loop3A_282 = arith.constant 176 : index
        %parallel_loop3A_283 = tpu.vector_load %arg6[%parallel_loop3A_280, %parallel_loop3A_281, %parallel_loop3A_282] {strides = array<i32>} : memref<3x32x512xf32, #tpu.memory_space<vmem>>, vector<1x1x16xf32>,
        %parallel_loop3A_284 = vector.shape_cast %parallel_loop3A_283 : vector<1x1x16xf32> to vector<16xf32>
        %parallel_loop3A_285 = vector.shape_cast %parallel_loop3A_279 : vector<16xf32> to vector<1x1x16xf32>
        tpu.vector_store %arg6[%parallel_loop3A_280, %parallel_loop3A_281, %parallel_loop3A_282], %parallel_loop3A_285 {add = true, strides = array<i32>} : memref<3x32x512xf32, #tpu.memory_space<vmem>>, vector<1x1x16xf32>,
        %parallel_loop3A_286 = arith.index_cast %parallel_loop3A_165 : i32 to index
        %parallel_loop3A_287 = arith.constant 192 : index
        %parallel_loop3A_288 = tpu.vector_load %arg5[%parallel_loop3A_286, %parallel_loop3A_287] {strides = array<i32>} : memref<32x512xf32, #tpu.memory_space<vmem>>, vector<1x16xf32>,
        %parallel_loop3A_289 = vector.shape_cast %parallel_loop3A_288 : vector<1x16xf32> to vector<16xf32>
        %parallel_loop3A_290 = arith.index_cast %rem3A_123 : i32 to index
        %parallel_loop3A_291 = arith.index_cast %parallel_loop3A_165 : i32 to index
        %parallel_loop3A_292 = arith.constant 192 : index
        %parallel_loop3A_293 = tpu.vector_load %arg6[%parallel_loop3A_290, %parallel_loop3A_291, %parallel_loop3A_292] {strides = array<i32>} : memref<3x32x512xf32, #tpu.memory_space<vmem>>, vector<1x1x16xf32>,
        %parallel_loop3A_294 = vector.shape_cast %parallel_loop3A_293 : vector<1x1x16xf32> to vector<16xf32>
        %parallel_loop3A_295 = vector.shape_cast %parallel_loop3A_289 : vector<16xf32> to vector<1x1x16xf32>
        tpu.vector_store %arg6[%parallel_loop3A_290, %parallel_loop3A_291, %parallel_loop3A_292], %parallel_loop3A_295 {add = true, strides = array<i32>} : memref<3x32x512xf32, #tpu.memory_space<vmem>>, vector<1x1x16xf32>,
        %parallel_loop3A_296 = arith.index_cast %parallel_loop3A_165 : i32 to index
        %parallel_loop3A_297 = arith.constant 208 : index
        %parallel_loop3A_298 = tpu.vector_load %arg5[%parallel_loop3A_296, %parallel_loop3A_297] {strides = array<i32>} : memref<32x512xf32, #tpu.memory_space<vmem>>, vector<1x16xf32>,
        %parallel_loop3A_299 = vector.shape_cast %parallel_loop3A_298 : vector<1x16xf32> to vector<16xf32>
        %parallel_loop3A_300 = arith.index_cast %rem3A_123 : i32 to index
        %parallel_loop3A_301 = arith.index_cast %parallel_loop3A_165 : i32 to index
        %parallel_loop3A_302 = arith.constant 208 : index
        %parallel_loop3A_303 = tpu.vector_load %arg6[%parallel_loop3A_300, %parallel_loop3A_301, %parallel_loop3A_302] {strides = array<i32>} : memref<3x32x512xf32, #tpu.memory_space<vmem>>, vector<1x1x16xf32>,
        %parallel_loop3A_304 = vector.shape_cast %parallel_loop3A_303 : vector<1x1x16xf32> to vector<16xf32>
        %parallel_loop3A_305 = vector.shape_cast %parallel_loop3A_299 : vector<16xf32> to vector<1x1x16xf32>
        tpu.vector_store %arg6[%parallel_loop3A_300, %parallel_loop3A_301, %parallel_loop3A_302], %parallel_loop3A_305 {add = true, strides = array<i32>} : memref<3x32x512xf32, #tpu.memory_space<vmem>>, vector<1x1x16xf32>,
        %parallel_loop3A_306 = arith.index_cast %parallel_loop3A_165 : i32 to index
        %parallel_loop3A_307 = arith.constant 224 : index
        %parallel_loop3A_308 = tpu.vector_load %arg5[%parallel_loop3A_306, %parallel_loop3A_307] {strides = array<i32>} : memref<32x512xf32, #tpu.memory_space<vmem>>, vector<1x16xf32>,
        %parallel_loop3A_309 = vector.shape_cast %parallel_loop3A_308 : vector<1x16xf32> to vector<16xf32>
        %parallel_loop3A_310 = arith.index_cast %rem3A_123 : i32 to index
        %parallel_loop3A_311 = arith.index_cast %parallel_loop3A_165 : i32 to index
        %parallel_loop3A_312 = arith.constant 224 : index
        %parallel_loop3A_313 = tpu.vector_load %arg6[%parallel_loop3A_310, %parallel_loop3A_311, %parallel_loop3A_312] {strides = array<i32>} : memref<3x32x512xf32, #tpu.memory_space<vmem>>, vector<1x1x16xf32>,
        %parallel_loop3A_314 = vector.shape_cast %parallel_loop3A_313 : vector<1x1x16xf32> to vector<16xf32>
        %parallel_loop3A_315 = vector.shape_cast %parallel_loop3A_309 : vector<16xf32> to vector<1x1x16xf32>
        tpu.vector_store %arg6[%parallel_loop3A_310, %parallel_loop3A_311, %parallel_loop3A_312], %parallel_loop3A_315 {add = true, strides = array<i32>} : memref<3x32x512xf32, #tpu.memory_space<vmem>>, vector<1x1x16xf32>,
        %parallel_loop3A_316 = arith.index_cast %parallel_loop3A_165 : i32 to index
        %parallel_loop3A_317 = arith.constant 240 : index
        %parallel_loop3A_318 = tpu.vector_load %arg5[%parallel_loop3A_316, %parallel_loop3A_317] {strides = array<i32>} : memref<32x512xf32, #tpu.memory_space<vmem>>, vector<1x16xf32>,
        %parallel_loop3A_319 = vector.shape_cast %parallel_loop3A_318 : vector<1x16xf32> to vector<16xf32>
        %parallel_loop3A_320 = arith.index_cast %rem3A_123 : i32 to index
        %parallel_loop3A_321 = arith.index_cast %parallel_loop3A_165 : i32 to index
        %parallel_loop3A_322 = arith.constant 240 : index
        %parallel_loop3A_323 = tpu.vector_load %arg6[%parallel_loop3A_320, %parallel_loop3A_321, %parallel_loop3A_322] {strides = array<i32>} : memref<3x32x512xf32, #tpu.memory_space<vmem>>, vector<1x1x16xf32>,
        %parallel_loop3A_324 = vector.shape_cast %parallel_loop3A_323 : vector<1x1x16xf32> to vector<16xf32>
        %parallel_loop3A_325 = vector.shape_cast %parallel_loop3A_319 : vector<16xf32> to vector<1x1x16xf32>
        tpu.vector_store %arg6[%parallel_loop3A_320, %parallel_loop3A_321, %parallel_loop3A_322], %parallel_loop3A_325 {add = true, strides = array<i32>} : memref<3x32x512xf32, #tpu.memory_space<vmem>>, vector<1x1x16xf32>,
        %parallel_loop3A_326 = arith.index_cast %parallel_loop3A_165 : i32 to index
        %parallel_loop3A_327 = arith.constant 256 : index
        %parallel_loop3A_328 = tpu.vector_load %arg5[%parallel_loop3A_326, %parallel_loop3A_327] {strides = array<i32>} : memref<32x512xf32, #tpu.memory_space<vmem>>, vector<1x16xf32>,
        %parallel_loop3A_329 = vector.shape_cast %parallel_loop3A_328 : vector<1x16xf32> to vector<16xf32>
        %parallel_loop3A_330 = arith.index_cast %rem3A_123 : i32 to index
        %parallel_loop3A_331 = arith.index_cast %parallel_loop3A_165 : i32 to index
        %parallel_loop3A_332 = arith.constant 256 : index
        %parallel_loop3A_333 = tpu.vector_load %arg6[%parallel_loop3A_330, %parallel_loop3A_331, %parallel_loop3A_332] {strides = array<i32>} : memref<3x32x512xf32, #tpu.memory_space<vmem>>, vector<1x1x16xf32>,
        %parallel_loop3A_334 = vector.shape_cast %parallel_loop3A_333 : vector<1x1x16xf32> to vector<16xf32>
        %parallel_loop3A_335 = vector.shape_cast %parallel_loop3A_329 : vector<16xf32> to vector<1x1x16xf32>
        tpu.vector_store %arg6[%parallel_loop3A_330, %parallel_loop3A_331, %parallel_loop3A_332], %parallel_loop3A_335 {add = true, strides = array<i32>} : memref<3x32x512xf32, #tpu.memory_space<vmem>>, vector<1x1x16xf32>,
        %parallel_loop3A_336 = arith.index_cast %parallel_loop3A_165 : i32 to index
        %parallel_loop3A_337 = arith.constant 272 : index
        %parallel_loop3A_338 = tpu.vector_load %arg5[%parallel_loop3A_336, %parallel_loop3A_337] {strides = array<i32>} : memref<32x512xf32, #tpu.memory_space<vmem>>, vector<1x16xf32>,
        %parallel_loop3A_339 = vector.shape_cast %parallel_loop3A_338 : vector<1x16xf32> to vector<16xf32>
        %parallel_loop3A_340 = arith.index_cast %rem3A_123 : i32 to index
        %parallel_loop3A_341 = arith.index_cast %parallel_loop3A_165 : i32 to index
        %parallel_loop3A_342 = arith.constant 272 : index
        %parallel_loop3A_343 = tpu.vector_load %arg6[%parallel_loop3A_340, %parallel_loop3A_341, %parallel_loop3A_342] {strides = array<i32>} : memref<3x32x512xf32, #tpu.memory_space<vmem>>, vector<1x1x16xf32>,
        %parallel_loop3A_344 = vector.shape_cast %parallel_loop3A_343 : vector<1x1x16xf32> to vector<16xf32>
        %parallel_loop3A_345 = vector.shape_cast %parallel_loop3A_339 : vector<16xf32> to vector<1x1x16xf32>
        tpu.vector_store %arg6[%parallel_loop3A_340, %parallel_loop3A_341, %parallel_loop3A_342], %parallel_loop3A_345 {add = true, strides = array<i32>} : memref<3x32x512xf32, #tpu.memory_space<vmem>>, vector<1x1x16xf32>,
        %parallel_loop3A_346 = arith.index_cast %parallel_loop3A_165 : i32 to index
        %parallel_loop3A_347 = arith.constant 288 : index
        %parallel_loop3A_348 = tpu.vector_load %arg5[%parallel_loop3A_346, %parallel_loop3A_347] {strides = array<i32>} : memref<32x512xf32, #tpu.memory_space<vmem>>, vector<1x16xf32>,
        %parallel_loop3A_349 = vector.shape_cast %parallel_loop3A_348 : vector<1x16xf32> to vector<16xf32>
        %parallel_loop3A_350 = arith.index_cast %rem3A_123 : i32 to index
        %parallel_loop3A_351 = arith.index_cast %parallel_loop3A_165 : i32 to index
        %parallel_loop3A_352 = arith.constant 288 : index
        %parallel_loop3A_353 = tpu.vector_load %arg6[%parallel_loop3A_350, %parallel_loop3A_351, %parallel_loop3A_352] {strides = array<i32>} : memref<3x32x512xf32, #tpu.memory_space<vmem>>, vector<1x1x16xf32>,
        %parallel_loop3A_354 = vector.shape_cast %parallel_loop3A_353 : vector<1x1x16xf32> to vector<16xf32>
        %parallel_loop3A_355 = vector.shape_cast %parallel_loop3A_349 : vector<16xf32> to vector<1x1x16xf32>
        tpu.vector_store %arg6[%parallel_loop3A_350, %parallel_loop3A_351, %parallel_loop3A_352], %parallel_loop3A_355 {add = true, strides = array<i32>} : memref<3x32x512xf32, #tpu.memory_space<vmem>>, vector<1x1x16xf32>,
        %parallel_loop3A_356 = arith.index_cast %parallel_loop3A_165 : i32 to index
        %parallel_loop3A_357 = arith.constant 304 : index
        %parallel_loop3A_358 = tpu.vector_load %arg5[%parallel_loop3A_356, %parallel_loop3A_357] {strides = array<i32>} : memref<32x512xf32, #tpu.memory_space<vmem>>, vector<1x16xf32>,
        %parallel_loop3A_359 = vector.shape_cast %parallel_loop3A_358 : vector<1x16xf32> to vector<16xf32>
        %parallel_loop3A_360 = arith.index_cast %rem3A_123 : i32 to index
        %parallel_loop3A_361 = arith.index_cast %parallel_loop3A_165 : i32 to index
        %parallel_loop3A_362 = arith.constant 304 : index
        %parallel_loop3A_363 = tpu.vector_load %arg6[%parallel_loop3A_360, %parallel_loop3A_361, %parallel_loop3A_362] {strides = array<i32>} : memref<3x32x512xf32, #tpu.memory_space<vmem>>, vector<1x1x16xf32>,
        %parallel_loop3A_364 = vector.shape_cast %parallel_loop3A_363 : vector<1x1x16xf32> to vector<16xf32>
        %parallel_loop3A_365 = vector.shape_cast %parallel_loop3A_359 : vector<16xf32> to vector<1x1x16xf32>
        tpu.vector_store %arg6[%parallel_loop3A_360, %parallel_loop3A_361, %parallel_loop3A_362], %parallel_loop3A_365 {add = true, strides = array<i32>} : memref<3x32x512xf32, #tpu.memory_space<vmem>>, vector<1x1x16xf32>,
        %parallel_loop3A_366 = arith.index_cast %parallel_loop3A_165 : i32 to index
        %parallel_loop3A_367 = arith.constant 320 : index
        %parallel_loop3A_368 = tpu.vector_load %arg5[%parallel_loop3A_366, %parallel_loop3A_367] {strides = array<i32>} : memref<32x512xf32, #tpu.memory_space<vmem>>, vector<1x16xf32>,
        %parallel_loop3A_369 = vector.shape_cast %parallel_loop3A_368 : vector<1x16xf32> to vector<16xf32>
        %parallel_loop3A_370 = arith.index_cast %rem3A_123 : i32 to index
        %parallel_loop3A_371 = arith.index_cast %parallel_loop3A_165 : i32 to index
        %parallel_loop3A_372 = arith.constant 320 : index
        %parallel_loop3A_373 = tpu.vector_load %arg6[%parallel_loop3A_370, %parallel_loop3A_371, %parallel_loop3A_372] {strides = array<i32>} : memref<3x32x512xf32, #tpu.memory_space<vmem>>, vector<1x1x16xf32>,
        %parallel_loop3A_374 = vector.shape_cast %parallel_loop3A_373 : vector<1x1x16xf32> to vector<16xf32>
        %parallel_loop3A_375 = vector.shape_cast %parallel_loop3A_369 : vector<16xf32> to vector<1x1x16xf32>
        tpu.vector_store %arg6[%parallel_loop3A_370, %parallel_loop3A_371, %parallel_loop3A_372], %parallel_loop3A_375 {add = true, strides = array<i32>} : memref<3x32x512xf32, #tpu.memory_space<vmem>>, vector<1x1x16xf32>,
        %parallel_loop3A_376 = arith.index_cast %parallel_loop3A_165 : i32 to index
        %parallel_loop3A_377 = arith.constant 336 : index
        %parallel_loop3A_378 = tpu.vector_load %arg5[%parallel_loop3A_376, %parallel_loop3A_377] {strides = array<i32>} : memref<32x512xf32, #tpu.memory_space<vmem>>, vector<1x16xf32>,
        %parallel_loop3A_379 = vector.shape_cast %parallel_loop3A_378 : vector<1x16xf32> to vector<16xf32>
        %parallel_loop3A_380 = arith.index_cast %rem3A_123 : i32 to index
        %parallel_loop3A_381 = arith.index_cast %parallel_loop3A_165 : i32 to index
        %parallel_loop3A_382 = arith.constant 336 : index
        %parallel_loop3A_383 = tpu.vector_load %arg6[%parallel_loop3A_380, %parallel_loop3A_381, %parallel_loop3A_382] {strides = array<i32>} : memref<3x32x512xf32, #tpu.memory_space<vmem>>, vector<1x1x16xf32>,
        %parallel_loop3A_384 = vector.shape_cast %parallel_loop3A_383 : vector<1x1x16xf32> to vector<16xf32>
        %parallel_loop3A_385 = vector.shape_cast %parallel_loop3A_379 : vector<16xf32> to vector<1x1x16xf32>
        tpu.vector_store %arg6[%parallel_loop3A_380, %parallel_loop3A_381, %parallel_loop3A_382], %parallel_loop3A_385 {add = true, strides = array<i32>} : memref<3x32x512xf32, #tpu.memory_space<vmem>>, vector<1x1x16xf32>,
        %parallel_loop3A_386 = arith.index_cast %parallel_loop3A_165 : i32 to index
        %parallel_loop3A_387 = arith.constant 352 : index
        %parallel_loop3A_388 = tpu.vector_load %arg5[%parallel_loop3A_386, %parallel_loop3A_387] {strides = array<i32>} : memref<32x512xf32, #tpu.memory_space<vmem>>, vector<1x16xf32>,
        %parallel_loop3A_389 = vector.shape_cast %parallel_loop3A_388 : vector<1x16xf32> to vector<16xf32>
        %parallel_loop3A_390 = arith.index_cast %rem3A_123 : i32 to index
        %parallel_loop3A_391 = arith.index_cast %parallel_loop3A_165 : i32 to index
        %parallel_loop3A_392 = arith.constant 352 : index
        %parallel_loop3A_393 = tpu.vector_load %arg6[%parallel_loop3A_390, %parallel_loop3A_391, %parallel_loop3A_392] {strides = array<i32>} : memref<3x32x512xf32, #tpu.memory_space<vmem>>, vector<1x1x16xf32>,
        %parallel_loop3A_394 = vector.shape_cast %parallel_loop3A_393 : vector<1x1x16xf32> to vector<16xf32>
        %parallel_loop3A_395 = vector.shape_cast %parallel_loop3A_389 : vector<16xf32> to vector<1x1x16xf32>
        tpu.vector_store %arg6[%parallel_loop3A_390, %parallel_loop3A_391, %parallel_loop3A_392], %parallel_loop3A_395 {add = true, strides = array<i32>} : memref<3x32x512xf32, #tpu.memory_space<vmem>>, vector<1x1x16xf32>,
        %parallel_loop3A_396 = arith.index_cast %parallel_loop3A_165 : i32 to index
        %parallel_loop3A_397 = arith.constant 368 : index
        %parallel_loop3A_398 = tpu.vector_load %arg5[%parallel_loop3A_396, %parallel_loop3A_397] {strides = array<i32>} : memref<32x512xf32, #tpu.memory_space<vmem>>, vector<1x16xf32>,
        %parallel_loop3A_399 = vector.shape_cast %parallel_loop3A_398 : vector<1x16xf32> to vector<16xf32>
        %parallel_loop3A_400 = arith.index_cast %rem3A_123 : i32 to index
        %parallel_loop3A_401 = arith.index_cast %parallel_loop3A_165 : i32 to index
        %parallel_loop3A_402 = arith.constant 368 : index
        %parallel_loop3A_403 = tpu.vector_load %arg6[%parallel_loop3A_400, %parallel_loop3A_401, %parallel_loop3A_402] {strides = array<i32>} : memref<3x32x512xf32, #tpu.memory_space<vmem>>, vector<1x1x16xf32>,
        %parallel_loop3A_404 = vector.shape_cast %parallel_loop3A_403 : vector<1x1x16xf32> to vector<16xf32>
        %parallel_loop3A_405 = vector.shape_cast %parallel_loop3A_399 : vector<16xf32> to vector<1x1x16xf32>
        tpu.vector_store %arg6[%parallel_loop3A_400, %parallel_loop3A_401, %parallel_loop3A_402], %parallel_loop3A_405 {add = true, strides = array<i32>} : memref<3x32x512xf32, #tpu.memory_space<vmem>>, vector<1x1x16xf32>,
        %parallel_loop3A_406 = arith.index_cast %parallel_loop3A_165 : i32 to index
        %parallel_loop3A_407 = arith.constant 384 : index
        %parallel_loop3A_408 = tpu.vector_load %arg5[%parallel_loop3A_406, %parallel_loop3A_407] {strides = array<i32>} : memref<32x512xf32, #tpu.memory_space<vmem>>, vector<1x16xf32>,
        %parallel_loop3A_409 = vector.shape_cast %parallel_loop3A_408 : vector<1x16xf32> to vector<16xf32>
        %parallel_loop3A_410 = arith.index_cast %rem3A_123 : i32 to index
        %parallel_loop3A_411 = arith.index_cast %parallel_loop3A_165 : i32 to index
        %parallel_loop3A_412 = arith.constant 384 : index
        %parallel_loop3A_413 = tpu.vector_load %arg6[%parallel_loop3A_410, %parallel_loop3A_411, %parallel_loop3A_412] {strides = array<i32>} : memref<3x32x512xf32, #tpu.memory_space<vmem>>, vector<1x1x16xf32>,
        %parallel_loop3A_414 = vector.shape_cast %parallel_loop3A_413 : vector<1x1x16xf32> to vector<16xf32>
        %parallel_loop3A_415 = vector.shape_cast %parallel_loop3A_409 : vector<16xf32> to vector<1x1x16xf32>
        tpu.vector_store %arg6[%parallel_loop3A_410, %parallel_loop3A_411, %parallel_loop3A_412], %parallel_loop3A_415 {add = true, strides = array<i32>} : memref<3x32x512xf32, #tpu.memory_space<vmem>>, vector<1x1x16xf32>,
        %parallel_loop3A_416 = arith.index_cast %parallel_loop3A_165 : i32 to index
        %parallel_loop3A_417 = arith.constant 400 : index
        %parallel_loop3A_418 = tpu.vector_load %arg5[%parallel_loop3A_416, %parallel_loop3A_417] {strides = array<i32>} : memref<32x512xf32, #tpu.memory_space<vmem>>, vector<1x16xf32>,
        %parallel_loop3A_419 = vector.shape_cast %parallel_loop3A_418 : vector<1x16xf32> to vector<16xf32>
        %parallel_loop3A_420 = arith.index_cast %rem3A_123 : i32 to index
        %parallel_loop3A_421 = arith.index_cast %parallel_loop3A_165 : i32 to index
        %parallel_loop3A_422 = arith.constant 400 : index
        %parallel_loop3A_423 = tpu.vector_load %arg6[%parallel_loop3A_420, %parallel_loop3A_421, %parallel_loop3A_422] {strides = array<i32>} : memref<3x32x512xf32, #tpu.memory_space<vmem>>, vector<1x1x16xf32>,
        %parallel_loop3A_424 = vector.shape_cast %parallel_loop3A_423 : vector<1x1x16xf32> to vector<16xf32>
        %parallel_loop3A_425 = vector.shape_cast %parallel_loop3A_419 : vector<16xf32> to vector<1x1x16xf32>
        tpu.vector_store %arg6[%parallel_loop3A_420, %parallel_loop3A_421, %parallel_loop3A_422], %parallel_loop3A_425 {add = true, strides = array<i32>} : memref<3x32x512xf32, #tpu.memory_space<vmem>>, vector<1x1x16xf32>,
        %parallel_loop3A_426 = arith.index_cast %parallel_loop3A_165 : i32 to index
        %parallel_loop3A_427 = arith.constant 416 : index
        %parallel_loop3A_428 = tpu.vector_load %arg5[%parallel_loop3A_426, %parallel_loop3A_427] {strides = array<i32>} : memref<32x512xf32, #tpu.memory_space<vmem>>, vector<1x16xf32>,
        %parallel_loop3A_429 = vector.shape_cast %parallel_loop3A_428 : vector<1x16xf32> to vector<16xf32>
        %parallel_loop3A_430 = arith.index_cast %rem3A_123 : i32 to index
        %parallel_loop3A_431 = arith.index_cast %parallel_loop3A_165 : i32 to index
        %parallel_loop3A_432 = arith.constant 416 : index
        %parallel_loop3A_433 = tpu.vector_load %arg6[%parallel_loop3A_430, %parallel_loop3A_431, %parallel_loop3A_432] {strides = array<i32>} : memref<3x32x512xf32, #tpu.memory_space<vmem>>, vector<1x1x16xf32>,
        %parallel_loop3A_434 = vector.shape_cast %parallel_loop3A_433 : vector<1x1x16xf32> to vector<16xf32>
        %parallel_loop3A_435 = vector.shape_cast %parallel_loop3A_429 : vector<16xf32> to vector<1x1x16xf32>
        tpu.vector_store %arg6[%parallel_loop3A_430, %parallel_loop3A_431, %parallel_loop3A_432], %parallel_loop3A_435 {add = true, strides = array<i32>} : memref<3x32x512xf32, #tpu.memory_space<vmem>>, vector<1x1x16xf32>,
        %parallel_loop3A_436 = arith.index_cast %parallel_loop3A_165 : i32 to index
        %parallel_loop3A_437 = arith.constant 432 : index
        %parallel_loop3A_438 = tpu.vector_load %arg5[%parallel_loop3A_436, %parallel_loop3A_437] {strides = array<i32>} : memref<32x512xf32, #tpu.memory_space<vmem>>, vector<1x16xf32>,
        %parallel_loop3A_439 = vector.shape_cast %parallel_loop3A_438 : vector<1x16xf32> to vector<16xf32>
        %parallel_loop3A_440 = arith.index_cast %rem3A_123 : i32 to index
        %parallel_loop3A_441 = arith.index_cast %parallel_loop3A_165 : i32 to index
        %parallel_loop3A_442 = arith.constant 432 : index
        %parallel_loop3A_443 = tpu.vector_load %arg6[%parallel_loop3A_440, %parallel_loop3A_441, %parallel_loop3A_442] {strides = array<i32>} : memref<3x32x512xf32, #tpu.memory_space<vmem>>, vector<1x1x16xf32>,
        %parallel_loop3A_444 = vector.shape_cast %parallel_loop3A_443 : vector<1x1x16xf32> to vector<16xf32>
        %parallel_loop3A_445 = vector.shape_cast %parallel_loop3A_439 : vector<16xf32> to vector<1x1x16xf32>
        tpu.vector_store %arg6[%parallel_loop3A_440, %parallel_loop3A_441, %parallel_loop3A_442], %parallel_loop3A_445 {add = true, strides = array<i32>} : memref<3x32x512xf32, #tpu.memory_space<vmem>>, vector<1x1x16xf32>,
        %parallel_loop3A_446 = arith.index_cast %parallel_loop3A_165 : i32 to index
        %parallel_loop3A_447 = arith.constant 448 : index
        %parallel_loop3A_448 = tpu.vector_load %arg5[%parallel_loop3A_446, %parallel_loop3A_447] {strides = array<i32>} : memref<32x512xf32, #tpu.memory_space<vmem>>, vector<1x16xf32>,
        %parallel_loop3A_449 = vector.shape_cast %parallel_loop3A_448 : vector<1x16xf32> to vector<16xf32>
        %parallel_loop3A_450 = arith.index_cast %rem3A_123 : i32 to index
        %parallel_loop3A_451 = arith.index_cast %parallel_loop3A_165 : i32 to index
        %parallel_loop3A_452 = arith.constant 448 : index
        %parallel_loop3A_453 = tpu.vector_load %arg6[%parallel_loop3A_450, %parallel_loop3A_451, %parallel_loop3A_452] {strides = array<i32>} : memref<3x32x512xf32, #tpu.memory_space<vmem>>, vector<1x1x16xf32>,
        %parallel_loop3A_454 = vector.shape_cast %parallel_loop3A_453 : vector<1x1x16xf32> to vector<16xf32>
        %parallel_loop3A_455 = vector.shape_cast %parallel_loop3A_449 : vector<16xf32> to vector<1x1x16xf32>
        tpu.vector_store %arg6[%parallel_loop3A_450, %parallel_loop3A_451, %parallel_loop3A_452], %parallel_loop3A_455 {add = true, strides = array<i32>} : memref<3x32x512xf32, #tpu.memory_space<vmem>>, vector<1x1x16xf32>,
        %parallel_loop3A_456 = arith.index_cast %parallel_loop3A_165 : i32 to index
        %parallel_loop3A_457 = arith.constant 464 : index
        %parallel_loop3A_458 = tpu.vector_load %arg5[%parallel_loop3A_456, %parallel_loop3A_457] {strides = array<i32>} : memref<32x512xf32, #tpu.memory_space<vmem>>, vector<1x16xf32>,
        %parallel_loop3A_459 = vector.shape_cast %parallel_loop3A_458 : vector<1x16xf32> to vector<16xf32>
        %parallel_loop3A_460 = arith.index_cast %rem3A_123 : i32 to index
        %parallel_loop3A_461 = arith.index_cast %parallel_loop3A_165 : i32 to index
        %parallel_loop3A_462 = arith.constant 464 : index
        %parallel_loop3A_463 = tpu.vector_load %arg6[%parallel_loop3A_460, %parallel_loop3A_461, %parallel_loop3A_462] {strides = array<i32>} : memref<3x32x512xf32, #tpu.memory_space<vmem>>, vector<1x1x16xf32>,
        %parallel_loop3A_464 = vector.shape_cast %parallel_loop3A_463 : vector<1x1x16xf32> to vector<16xf32>
        %parallel_loop3A_465 = vector.shape_cast %parallel_loop3A_459 : vector<16xf32> to vector<1x1x16xf32>
        tpu.vector_store %arg6[%parallel_loop3A_460, %parallel_loop3A_461, %parallel_loop3A_462], %parallel_loop3A_465 {add = true, strides = array<i32>} : memref<3x32x512xf32, #tpu.memory_space<vmem>>, vector<1x1x16xf32>,
        %parallel_loop3A_466 = arith.index_cast %parallel_loop3A_165 : i32 to index
        %parallel_loop3A_467 = arith.constant 480 : index
        %parallel_loop3A_468 = tpu.vector_load %arg5[%parallel_loop3A_466, %parallel_loop3A_467] {strides = array<i32>} : memref<32x512xf32, #tpu.memory_space<vmem>>, vector<1x16xf32>,
        %parallel_loop3A_469 = vector.shape_cast %parallel_loop3A_468 : vector<1x16xf32> to vector<16xf32>
        %parallel_loop3A_470 = arith.index_cast %rem3A_123 : i32 to index
        %parallel_loop3A_471 = arith.index_cast %parallel_loop3A_165 : i32 to index
        %parallel_loop3A_472 = arith.constant 480 : index
        %parallel_loop3A_473 = tpu.vector_load %arg6[%parallel_loop3A_470, %parallel_loop3A_471, %parallel_loop3A_472] {strides = array<i32>} : memref<3x32x512xf32, #tpu.memory_space<vmem>>, vector<1x1x16xf32>,
        %parallel_loop3A_474 = vector.shape_cast %parallel_loop3A_473 : vector<1x1x16xf32> to vector<16xf32>
        %parallel_loop3A_475 = vector.shape_cast %parallel_loop3A_469 : vector<16xf32> to vector<1x1x16xf32>
        tpu.vector_store %arg6[%parallel_loop3A_470, %parallel_loop3A_471, %parallel_loop3A_472], %parallel_loop3A_475 {add = true, strides = array<i32>} : memref<3x32x512xf32, #tpu.memory_space<vmem>>, vector<1x1x16xf32>,
        %parallel_loop3A_476 = arith.index_cast %parallel_loop3A_165 : i32 to index
        %parallel_loop3A_477 = arith.constant 496 : index
        %parallel_loop3A_478 = tpu.vector_load %arg5[%parallel_loop3A_476, %parallel_loop3A_477] {strides = array<i32>} : memref<32x512xf32, #tpu.memory_space<vmem>>, vector<1x16xf32>,
        %parallel_loop3A_479 = vector.shape_cast %parallel_loop3A_478 : vector<1x16xf32> to vector<16xf32>
        %parallel_loop3A_480 = arith.index_cast %rem3A_123 : i32 to index
        %parallel_loop3A_481 = arith.index_cast %parallel_loop3A_165 : i32 to index
        %parallel_loop3A_482 = arith.constant 496 : index
        %parallel_loop3A_483 = tpu.vector_load %arg6[%parallel_loop3A_480, %parallel_loop3A_481, %parallel_loop3A_482] {strides = array<i32>} : memref<3x32x512xf32, #tpu.memory_space<vmem>>, vector<1x1x16xf32>,
        %parallel_loop3A_484 = vector.shape_cast %parallel_loop3A_483 : vector<1x1x16xf32> to vector<16xf32>
        %parallel_loop3A_485 = vector.shape_cast %parallel_loop3A_479 : vector<16xf32> to vector<1x1x16xf32>
        tpu.vector_store %arg6[%parallel_loop3A_480, %parallel_loop3A_481, %parallel_loop3A_482], %parallel_loop3A_485 {add = true, strides = array<i32>} : memref<3x32x512xf32, #tpu.memory_space<vmem>>, vector<1x1x16xf32>,
      } {sc.loop_unroll_factor = 4 : i64, sc.parallel_access}
      %dma_start3A_142 = arith.constant 0 : i32
      %dma_start3A_143 = arith.constant 0 : i32
      %dma_start3A_144 = tpu.memref_slice %arg6[%rem3A_123, %dma_start3A_142, %dma_start3A_143] : memref<3x32x512xf32, #tpu.memory_space<vmem>> -> memref<1x32x512xf32, #tpu.memory_space<vmem>>
      %dma_start3A_145 = tpu.memref_squeeze %dma_start3A_144 : memref<1x32x512xf32, #tpu.memory_space<vmem>> -> memref<32x512xf32, #tpu.memory_space<vmem>>
      %dma_start3A_146 = arith.constant 0 : i32
      %dma_start3A_147 = tpu.memref_slice %arg4[%scan3A_121, %mul3A_2, %dma_start3A_146] : memref<64x771x512xf32, #tpu.memory_space<hbm>> -> memref<1x32x512xf32, #tpu.memory_space<hbm>>
      %dma_start3A_148 = tpu.memref_squeeze %dma_start3A_147 : memref<1x32x512xf32, #tpu.memory_space<hbm>> -> memref<32x512xf32, #tpu.memory_space<hbm>>
      %dma_start3A_149 = tpu.memref_slice %arg8[%rem3A_123] : memref<3x!tpu.dma_semaphore, #tpu.memory_space<semaphore_mem>> -> memref<1x!tpu.dma_semaphore, #tpu.memory_space<semaphore_mem>>
      %dma_start3A_150 = tpu.memref_squeeze %dma_start3A_149 : memref<1x!tpu.dma_semaphore, #tpu.memory_space<semaphore_mem>> -> memref<!tpu.dma_semaphore, #tpu.memory_space<semaphore_mem>>
      %dma_start3A_151 = arith.constant 0 : i32
      %dma_start3A_152 = tpu.memref_slice %arg4[%scan3A_121, %mul3A_2, %dma_start3A_151] : memref<64x771x512xf32, #tpu.memory_space<hbm>> -> memref<1x32x512xf32, #tpu.memory_space<hbm>>
      %dma_start3A_153 = tpu.memref_squeeze %dma_start3A_152 : memref<1x32x512xf32, #tpu.memory_space<hbm>> -> memref<32x512xf32, #tpu.memory_space<hbm>>
      %dma_start3A_154 = arith.constant 0 : i32
      %dma_start3A_155 = arith.constant 0 : i32
      %dma_start3A_156 = tpu.memref_slice %arg6[%rem3A_123, %dma_start3A_154, %dma_start3A_155] : memref<3x32x512xf32, #tpu.memory_space<vmem>> -> memref<1x32x512xf32, #tpu.memory_space<vmem>>
      %dma_start3A_157 = tpu.memref_squeeze %dma_start3A_156 : memref<1x32x512xf32, #tpu.memory_space<vmem>> -> memref<32x512xf32, #tpu.memory_space<vmem>>
      tpu.enqueue_dma source(%dma_start3A_157 : memref<32x512xf32, #tpu.memory_space<vmem>>) target(%dma_start3A_153 : memref<32x512xf32, #tpu.memory_space<hbm>>) target_semaphore(%dma_start3A_150 : memref<!tpu.dma_semaphore, #tpu.memory_space<semaphore_mem>>)
      %ge3A = arith.constant 1 : i32
      %ge3A_158 = arith.cmpi sge, %scan3A_121, %ge3A : i32
      %sub3A = arith.constant 1 : i32
      %sub3A_159 = arith.subi %scan3A_121, %sub3A : i32
      %add3A_160 = arith.constant 3 : i32
      %add3A_161 = arith.addi %sub3A_159, %add3A_160 : i32
      %lt3A = arith.constant 64 : i32
      %lt3A_162 = arith.cmpi slt, %add3A_161, %lt3A : i32
      %and3A = arith.andi %ge3A_158, %lt3A_162 : i1
      %convert_element_type3A = arith.extui %and3A : i1 to i32
      %cond3A = arith.constant 0 : i32
      %cond3A_163 = arith.cmpi ne, %convert_element_type3A, %cond3A : i32
      scf.if %cond3A_163 {
        %sub3A_165 = arith.constant 1 : i32
        %sub3A_166 = arith.subi %scan3A_121, %sub3A_165 : i32
        %rem3A_167 = arith.constant 3 : i32
        %rem3A_168 = arith.remsi %sub3A_166, %rem3A_167 : i32
        %sub3A_169 = arith.constant 1 : i32
        %sub3A_170 = arith.subi %scan3A_121, %sub3A_169 : i32
        %dma_wait3A_171 = arith.constant 0 : i32
        %dma_wait3A_172 = arith.constant 0 : i32
        %dma_wait3A_173 = tpu.memref_slice %arg6[%rem3A_168, %dma_wait3A_171, %dma_wait3A_172] : memref<3x32x512xf32, #tpu.memory_space<vmem>> -> memref<1x32x512xf32, #tpu.memory_space<vmem>>
        %dma_wait3A_174 = tpu.memref_squeeze %dma_wait3A_173 : memref<1x32x512xf32, #tpu.memory_space<vmem>> -> memref<32x512xf32, #tpu.memory_space<vmem>>
        %dma_wait3A_175 = arith.constant 0 : i32
        %dma_wait3A_176 = tpu.memref_slice %arg4[%sub3A_170, %mul3A_2, %dma_wait3A_175] : memref<64x771x512xf32, #tpu.memory_space<hbm>> -> memref<1x32x512xf32, #tpu.memory_space<hbm>>
        %dma_wait3A_177 = tpu.memref_squeeze %dma_wait3A_176 : memref<1x32x512xf32, #tpu.memory_space<hbm>> -> memref<32x512xf32, #tpu.memory_space<hbm>>
        %dma_wait3A_178 = tpu.memref_slice %arg8[%rem3A_168] : memref<3x!tpu.dma_semaphore, #tpu.memory_space<semaphore_mem>> -> memref<1x!tpu.dma_semaphore, #tpu.memory_space<semaphore_mem>>
        %dma_wait3A_179 = tpu.memref_squeeze %dma_wait3A_178 : memref<1x!tpu.dma_semaphore, #tpu.memory_space<semaphore_mem>> -> memref<!tpu.dma_semaphore, #tpu.memory_space<semaphore_mem>>
        %dma_wait3A_180 = arith.constant 0 : i32
        %dma_wait3A_181 = tpu.memref_slice %arg4[%sub3A_170, %mul3A_2, %dma_wait3A_180] : memref<64x771x512xf32, #tpu.memory_space<hbm>> -> memref<1x32x512xf32, #tpu.memory_space<hbm>>
        %dma_wait3A_182 = tpu.memref_squeeze %dma_wait3A_181 : memref<1x32x512xf32, #tpu.memory_space<hbm>> -> memref<32x512xf32, #tpu.memory_space<hbm>>
        %dma_wait3A_183 = arith.constant 0 : i32
        %dma_wait3A_184 = arith.constant 0 : i32
        %dma_wait3A_185 = tpu.memref_slice %arg6[%rem3A_168, %dma_wait3A_183, %dma_wait3A_184] : memref<3x32x512xf32, #tpu.memory_space<vmem>> -> memref<1x32x512xf32, #tpu.memory_space<vmem>>
        %dma_wait3A_186 = tpu.memref_squeeze %dma_wait3A_185 : memref<1x32x512xf32, #tpu.memory_space<vmem>> -> memref<32x512xf32, #tpu.memory_space<vmem>>
        tpu.wait_dma2 semaphore(%dma_wait3A_179 : memref<!tpu.dma_semaphore, #tpu.memory_space<semaphore_mem>>) src(%dma_wait3A_186 : memref<32x512xf32, #tpu.memory_space<vmem>>) dst(%dma_wait3A_182 : memref<32x512xf32, #tpu.memory_space<hbm>>)
        %sub3A_187 = arith.constant 1 : i32
        %sub3A_188 = arith.subi %scan3A_121, %sub3A_187 : i32
        %add3A_189 = arith.constant 3 : i32
        %add3A_190 = arith.addi %sub3A_188, %add3A_189 : i32
        %dma_start3A_191 = arith.constant 0 : i32
        %dma_start3A_192 = arith.constant 0 : i32
        %dma_start3A_193 = tpu.memref_slice %arg6[%rem3A_168, %dma_start3A_191, %dma_start3A_192] : memref<3x32x512xf32, #tpu.memory_space<vmem>> -> memref<1x32x512xf32, #tpu.memory_space<vmem>>
        %dma_start3A_194 = tpu.memref_squeeze %dma_start3A_193 : memref<1x32x512xf32, #tpu.memory_space<vmem>> -> memref<32x512xf32, #tpu.memory_space<vmem>>
        %dma_start3A_195 = arith.constant 0 : i32
        %dma_start3A_196 = tpu.memref_slice %arg2[%add3A_190, %mul3A_2, %dma_start3A_195] : memref<64x771x512xf32, #tpu.memory_space<hbm>> -> memref<1x32x512xf32, #tpu.memory_space<hbm>>
        %dma_start3A_197 = tpu.memref_squeeze %dma_start3A_196 : memref<1x32x512xf32, #tpu.memory_space<hbm>> -> memref<32x512xf32, #tpu.memory_space<hbm>>
        %dma_start3A_198 = tpu.memref_slice %arg7[%rem3A_168] : memref<3x!tpu.dma_semaphore, #tpu.memory_space<semaphore_mem>> -> memref<1x!tpu.dma_semaphore, #tpu.memory_space<semaphore_mem>>
        %dma_start3A_199 = tpu.memref_squeeze %dma_start3A_198 : memref<1x!tpu.dma_semaphore, #tpu.memory_space<semaphore_mem>> -> memref<!tpu.dma_semaphore, #tpu.memory_space<semaphore_mem>>
        %dma_start3A_200 = arith.constant 0 : i32
        %dma_start3A_201 = arith.constant 0 : i32
        %dma_start3A_202 = tpu.memref_slice %arg6[%rem3A_168, %dma_start3A_200, %dma_start3A_201] : memref<3x32x512xf32, #tpu.memory_space<vmem>> -> memref<1x32x512xf32, #tpu.memory_space<vmem>>
        %dma_start3A_203 = tpu.memref_squeeze %dma_start3A_202 : memref<1x32x512xf32, #tpu.memory_space<vmem>> -> memref<32x512xf32, #tpu.memory_space<vmem>>
        %dma_start3A_204 = arith.constant 0 : i32
        %dma_start3A_205 = tpu.memref_slice %arg2[%add3A_190, %mul3A_2, %dma_start3A_204] : memref<64x771x512xf32, #tpu.memory_space<hbm>> -> memref<1x32x512xf32, #tpu.memory_space<hbm>>
        %dma_start3A_206 = tpu.memref_squeeze %dma_start3A_205 : memref<1x32x512xf32, #tpu.memory_space<hbm>> -> memref<32x512xf32, #tpu.memory_space<hbm>>
        tpu.enqueue_dma source(%dma_start3A_206 : memref<32x512xf32, #tpu.memory_space<hbm>>) target(%dma_start3A_203 : memref<32x512xf32, #tpu.memory_space<vmem>>) target_semaphore(%dma_start3A_199 : memref<!tpu.dma_semaphore, #tpu.memory_space<semaphore_mem>>)
      } else {
      }
      %scan3A_164 = arith.constant 0 : i32
      scf.yield %scan3A_164 : i32
    }
    %scan3A_64 = arith.constant 64 : i32
    %dma_wait3A = arith.constant 1 : i32
    %dma_wait3A_65 = arith.constant 61 : i32
    %dma_wait3A_66 = arith.constant 1 : i32
    %dma_wait3A_67 = arith.constant 0 : i32
    %dma_wait3A_68 = arith.constant 0 : i32
    %dma_wait3A_69 = tpu.memref_slice %arg6[%dma_wait3A, %dma_wait3A_67, %dma_wait3A_68] : memref<3x32x512xf32, #tpu.memory_space<vmem>> -> memref<1x32x512xf32, #tpu.memory_space<vmem>>
    %dma_wait3A_70 = tpu.memref_squeeze %dma_wait3A_69 : memref<1x32x512xf32, #tpu.memory_space<vmem>> -> memref<32x512xf32, #tpu.memory_space<vmem>>
    %dma_wait3A_71 = arith.constant 0 : i32
    %dma_wait3A_72 = tpu.memref_slice %arg4[%dma_wait3A_65, %mul3A_2, %dma_wait3A_71] : memref<64x771x512xf32, #tpu.memory_space<hbm>> -> memref<1x32x512xf32, #tpu.memory_space<hbm>>
    %dma_wait3A_73 = tpu.memref_squeeze %dma_wait3A_72 : memref<1x32x512xf32, #tpu.memory_space<hbm>> -> memref<32x512xf32, #tpu.memory_space<hbm>>
    %dma_wait3A_74 = tpu.memref_slice %arg8[%dma_wait3A_66] : memref<3x!tpu.dma_semaphore, #tpu.memory_space<semaphore_mem>> -> memref<1x!tpu.dma_semaphore, #tpu.memory_space<semaphore_mem>>
    %dma_wait3A_75 = tpu.memref_squeeze %dma_wait3A_74 : memref<1x!tpu.dma_semaphore, #tpu.memory_space<semaphore_mem>> -> memref<!tpu.dma_semaphore, #tpu.memory_space<semaphore_mem>>
    %dma_wait3A_76 = arith.constant 0 : i32
    %dma_wait3A_77 = tpu.memref_slice %arg4[%dma_wait3A_65, %mul3A_2, %dma_wait3A_76] : memref<64x771x512xf32, #tpu.memory_space<hbm>> -> memref<1x32x512xf32, #tpu.memory_space<hbm>>
    %dma_wait3A_78 = tpu.memref_squeeze %dma_wait3A_77 : memref<1x32x512xf32, #tpu.memory_space<hbm>> -> memref<32x512xf32, #tpu.memory_space<hbm>>
    %dma_wait3A_79 = arith.constant 0 : i32
    %dma_wait3A_80 = arith.constant 0 : i32
    %dma_wait3A_81 = tpu.memref_slice %arg6[%dma_wait3A, %dma_wait3A_79, %dma_wait3A_80] : memref<3x32x512xf32, #tpu.memory_space<vmem>> -> memref<1x32x512xf32, #tpu.memory_space<vmem>>
    %dma_wait3A_82 = tpu.memref_squeeze %dma_wait3A_81 : memref<1x32x512xf32, #tpu.memory_space<vmem>> -> memref<32x512xf32, #tpu.memory_space<vmem>>
    tpu.wait_dma2 semaphore(%dma_wait3A_75 : memref<!tpu.dma_semaphore, #tpu.memory_space<semaphore_mem>>) src(%dma_wait3A_82 : memref<32x512xf32, #tpu.memory_space<vmem>>) dst(%dma_wait3A_78 : memref<32x512xf32, #tpu.memory_space<hbm>>)
    %dma_wait3A_83 = arith.constant 2 : i32
    %dma_wait3A_84 = arith.constant 62 : i32
    %dma_wait3A_85 = arith.constant 2 : i32
    %dma_wait3A_86 = arith.constant 0 : i32
    %dma_wait3A_87 = arith.constant 0 : i32
    %dma_wait3A_88 = tpu.memref_slice %arg6[%dma_wait3A_83, %dma_wait3A_86, %dma_wait3A_87] : memref<3x32x512xf32, #tpu.memory_space<vmem>> -> memref<1x32x512xf32, #tpu.memory_space<vmem>>
    %dma_wait3A_89 = tpu.memref_squeeze %dma_wait3A_88 : memref<1x32x512xf32, #tpu.memory_space<vmem>> -> memref<32x512xf32, #tpu.memory_space<vmem>>
    %dma_wait3A_90 = arith.constant 0 : i32
    %dma_wait3A_91 = tpu.memref_slice %arg4[%dma_wait3A_84, %mul3A_2, %dma_wait3A_90] : memref<64x771x512xf32, #tpu.memory_space<hbm>> -> memref<1x32x512xf32, #tpu.memory_space<hbm>>
    %dma_wait3A_92 = tpu.memref_squeeze %dma_wait3A_91 : memref<1x32x512xf32, #tpu.memory_space<hbm>> -> memref<32x512xf32, #tpu.memory_space<hbm>>
    %dma_wait3A_93 = tpu.memref_slice %arg8[%dma_wait3A_85] : memref<3x!tpu.dma_semaphore, #tpu.memory_space<semaphore_mem>> -> memref<1x!tpu.dma_semaphore, #tpu.memory_space<semaphore_mem>>
    %dma_wait3A_94 = tpu.memref_squeeze %dma_wait3A_93 : memref<1x!tpu.dma_semaphore, #tpu.memory_space<semaphore_mem>> -> memref<!tpu.dma_semaphore, #tpu.memory_space<semaphore_mem>>
    %dma_wait3A_95 = arith.constant 0 : i32
    %dma_wait3A_96 = tpu.memref_slice %arg4[%dma_wait3A_84, %mul3A_2, %dma_wait3A_95] : memref<64x771x512xf32, #tpu.memory_space<hbm>> -> memref<1x32x512xf32, #tpu.memory_space<hbm>>
    %dma_wait3A_97 = tpu.memref_squeeze %dma_wait3A_96 : memref<1x32x512xf32, #tpu.memory_space<hbm>> -> memref<32x512xf32, #tpu.memory_space<hbm>>
    %dma_wait3A_98 = arith.constant 0 : i32
    %dma_wait3A_99 = arith.constant 0 : i32
    %dma_wait3A_100 = tpu.memref_slice %arg6[%dma_wait3A_83, %dma_wait3A_98, %dma_wait3A_99] : memref<3x32x512xf32, #tpu.memory_space<vmem>> -> memref<1x32x512xf32, #tpu.memory_space<vmem>>
    %dma_wait3A_101 = tpu.memref_squeeze %dma_wait3A_100 : memref<1x32x512xf32, #tpu.memory_space<vmem>> -> memref<32x512xf32, #tpu.memory_space<vmem>>
    tpu.wait_dma2 semaphore(%dma_wait3A_94 : memref<!tpu.dma_semaphore, #tpu.memory_space<semaphore_mem>>) src(%dma_wait3A_101 : memref<32x512xf32, #tpu.memory_space<vmem>>) dst(%dma_wait3A_97 : memref<32x512xf32, #tpu.memory_space<hbm>>)
    %dma_wait3A_102 = arith.constant 0 : i32
    %dma_wait3A_103 = arith.constant 63 : i32
    %dma_wait3A_104 = arith.constant 0 : i32
    %dma_wait3A_105 = arith.constant 0 : i32
    %dma_wait3A_106 = arith.constant 0 : i32
    %dma_wait3A_107 = tpu.memref_slice %arg6[%dma_wait3A_102, %dma_wait3A_105, %dma_wait3A_106] : memref<3x32x512xf32, #tpu.memory_space<vmem>> -> memref<1x32x512xf32, #tpu.memory_space<vmem>>
    %dma_wait3A_108 = tpu.memref_squeeze %dma_wait3A_107 : memref<1x32x512xf32, #tpu.memory_space<vmem>> -> memref<32x512xf32, #tpu.memory_space<vmem>>
    %dma_wait3A_109 = arith.constant 0 : i32
    %dma_wait3A_110 = tpu.memref_slice %arg4[%dma_wait3A_103, %mul3A_2, %dma_wait3A_109] : memref<64x771x512xf32, #tpu.memory_space<hbm>> -> memref<1x32x512xf32, #tpu.memory_space<hbm>>
    %dma_wait3A_111 = tpu.memref_squeeze %dma_wait3A_110 : memref<1x32x512xf32, #tpu.memory_space<hbm>> -> memref<32x512xf32, #tpu.memory_space<hbm>>
    %dma_wait3A_112 = tpu.memref_slice %arg8[%dma_wait3A_104] : memref<3x!tpu.dma_semaphore, #tpu.memory_space<semaphore_mem>> -> memref<1x!tpu.dma_semaphore, #tpu.memory_space<semaphore_mem>>
    %dma_wait3A_113 = tpu.memref_squeeze %dma_wait3A_112 : memref<1x!tpu.dma_semaphore, #tpu.memory_space<semaphore_mem>> -> memref<!tpu.dma_semaphore, #tpu.memory_space<semaphore_mem>>
    %dma_wait3A_114 = arith.constant 0 : i32
    %dma_wait3A_115 = tpu.memref_slice %arg4[%dma_wait3A_103, %mul3A_2, %dma_wait3A_114] : memref<64x771x512xf32, #tpu.memory_space<hbm>> -> memref<1x32x512xf32, #tpu.memory_space<hbm>>
    %dma_wait3A_116 = tpu.memref_squeeze %dma_wait3A_115 : memref<1x32x512xf32, #tpu.memory_space<hbm>> -> memref<32x512xf32, #tpu.memory_space<hbm>>
    %dma_wait3A_117 = arith.constant 0 : i32
    %dma_wait3A_118 = arith.constant 0 : i32
    %dma_wait3A_119 = tpu.memref_slice %arg6[%dma_wait3A_102, %dma_wait3A_117, %dma_wait3A_118] : memref<3x32x512xf32, #tpu.memory_space<vmem>> -> memref<1x32x512xf32, #tpu.memory_space<vmem>>
    %dma_wait3A_120 = tpu.memref_squeeze %dma_wait3A_119 : memref<1x32x512xf32, #tpu.memory_space<vmem>> -> memref<32x512xf32, #tpu.memory_space<vmem>>
    tpu.wait_dma2 semaphore(%dma_wait3A_113 : memref<!tpu.dma_semaphore, #tpu.memory_space<semaphore_mem>>) src(%dma_wait3A_120 : memref<32x512xf32, #tpu.memory_space<vmem>>) dst(%dma_wait3A_116 : memref<32x512xf32, #tpu.memory_space<hbm>>)
    return
  }
}

module attributes {stable_mosaic.version = 14 : i64} {
  func.func @_bias_body(%arg0: memref<6x512xf32, #tpu.memory_space<vmem>>, %arg1: memref<1x256x512xf32, #tpu.memory_space<vmem>>, %arg2: memref<1x3x512xf32, #tpu.memory_space<vmem>>, %arg3: memref<771x512xf32, #tpu.memory_space<vmem>>) attributes {dimension_semantics = [], scalar_prefetch = 0 : i64, scratch_operands = 0 : i64, tpu.core_type = #tpu.core_type<tc>} {
    %get3A = arith.constant 0 : index
    %get3A_0 = arith.constant 0 : index
    %get3A_1 = vector.load %arg0[%get3A, %get3A_0] : memref<6x512xf32, #tpu.memory_space<vmem>>, vector<6x512xf32>
    %get3A_2 = arith.constant 0 : index
    %get3A_3 = arith.constant 0 : index
    %get3A_4 = arith.constant 0 : index
    %get3A_5 = vector.load %arg1[%get3A_2, %get3A_3, %get3A_4] : memref<1x256x512xf32, #tpu.memory_space<vmem>>, vector<1x256x512xf32>
    %get3A_6 = vector.shape_cast %get3A_5 : vector<1x256x512xf32> to vector<256x512xf32>
    %get3A_7 = arith.constant 0 : index
    %get3A_8 = arith.constant 0 : index
    %get3A_9 = arith.constant 0 : index
    %get3A_10 = vector.load %arg2[%get3A_7, %get3A_8, %get3A_9] : memref<1x3x512xf32, #tpu.memory_space<vmem>>, vector<1x3x512xf32>
    %get3A_11 = vector.shape_cast %get3A_10 : vector<1x3x512xf32> to vector<3x512xf32>
    %slice3A = vector.extract_strided_slice %get3A_1 {offsets = [0, 0], sizes = [1, 512], strides = [1, 1]} : vector<6x512xf32> to vector<1x512xf32>
    %slice3A_12 = vector.extract_strided_slice %get3A_11 {offsets = [0, 0], sizes = [1, 512], strides = [1, 1]} : vector<3x512xf32> to vector<1x512xf32>
    %add3A = arith.addf %slice3A, %slice3A_12 : vector<1x512xf32>
    %slice3A_13 = vector.extract_strided_slice %get3A_1 {offsets = [1, 0], sizes = [1, 512], strides = [1, 1]} : vector<6x512xf32> to vector<1x512xf32>
    %slice3A_14 = vector.extract_strided_slice %get3A_11 {offsets = [1, 0], sizes = [1, 512], strides = [1, 1]} : vector<3x512xf32> to vector<1x512xf32>
    %add3A_15 = arith.addf %slice3A_13, %slice3A_14 : vector<1x512xf32>
    %slice3A_16 = vector.extract_strided_slice %get3A_1 {offsets = [2, 0], sizes = [1, 512], strides = [1, 1]} : vector<6x512xf32> to vector<1x512xf32>
    %add3A_17 = vector.broadcast %slice3A_16 : vector<1x512xf32> to vector<256x512xf32>
    %add3A_18 = arith.addf %add3A_17, %get3A_6 : vector<256x512xf32>
    %slice3A_19 = vector.extract_strided_slice %get3A_1 {offsets = [3, 0], sizes = [1, 512], strides = [1, 1]} : vector<6x512xf32> to vector<1x512xf32>
    %add3A_20 = vector.broadcast %slice3A_19 : vector<1x512xf32> to vector<256x512xf32>
    %add3A_21 = arith.addf %add3A_20, %get3A_6 : vector<256x512xf32>
    %slice3A_22 = vector.extract_strided_slice %get3A_1 {offsets = [4, 0], sizes = [1, 512], strides = [1, 1]} : vector<6x512xf32> to vector<1x512xf32>
    %slice3A_23 = vector.extract_strided_slice %get3A_11 {offsets = [2, 0], sizes = [1, 512], strides = [1, 1]} : vector<3x512xf32> to vector<1x512xf32>
    %add3A_24 = arith.addf %slice3A_22, %slice3A_23 : vector<1x512xf32>
    %slice3A_25 = vector.extract_strided_slice %get3A_1 {offsets = [5, 0], sizes = [1, 512], strides = [1, 1]} : vector<6x512xf32> to vector<1x512xf32>
    %add3A_26 = vector.broadcast %slice3A_25 : vector<1x512xf32> to vector<256x512xf32>
    %add3A_27 = arith.addf %add3A_26, %get3A_6 : vector<256x512xf32>
    %concatenate3A = tpu.concatenate %add3A, %add3A_15, %add3A_18, %add3A_21, %add3A_24, %add3A_27 in 0 : vector<1x512xf32>, vector<1x512xf32>, vector<256x512xf32>, vector<256x512xf32>, vector<1x512xf32>, vector<256x512xf32> -> vector<771x512xf32>
    %swap3A = arith.constant 0 : index
    %swap3A_28 = arith.constant 0 : index
    %swap3A_29 = vector.load %arg3[%swap3A, %swap3A_28] : memref<771x512xf32, #tpu.memory_space<vmem>>, vector<771x512xf32>
    tpu.vector_store %arg3[%swap3A, %swap3A_28], %concatenate3A {strides = array<i32>} : memref<771x512xf32, #tpu.memory_space<vmem>>, vector<771x512xf32>,
    return
  }
}

</mosaic_0001>

<sc_bundles>
// kernel: kernel.4.cloned.1.call-start
scs
__scs_entry_jumppad:
0x0: {  	(pc) =	sbr.rel $0x88, $3  }
0x1: {  	(tag) =	ssettag $0x0;
	lr =	simm.s32 $0x1  }
0x2: {  	[smem:$0x3F9D] =	sst lr;
	_ =	strace $0xD0000000  }
0x3: {  	_ = 	snop  }
0x4: {  	_ = 	snop  }
0x5: {  	_ = 	snop  }
0x6: {  	_ = 	snop  }
0x7: {  	_ = 	snop  }
__scs_overlays_trampoline_lowered:
0x8: {  	[smem:$0x3FAC] =	sst s0  }
0x9: {  	[smem:$0x3FAD] =	sst s1  }
0xa: {  	[smem:$0x3FAE] =	sst s2  }
0xb: {  	[smem:$0x3FAF] =	sst s3  }
0xc: {  	[smem:$0x3FB0] =	sst s4  }
0xd: {  	[smem:$0x3FB1] =	sst s5  }
0xe: {  	[smem:$0x3FB2] =	sst s6  }
0xf: {  	[smem:$0x3FB3] =	sst s7  }
0x10: {  	[smem:$0x3FB4] =	sst s8  }
0x11: {  	[smem:$0x3FB5] =	sst s9;
	s0 =	simm.s32 @!p0 $0x0  }
0x12: {  	s1 =	sld [smem:$0x3F9B];
	s0 =	simm.s32 @p0 $0x1  }
0x13: {  	[smem:$0x3FB6] =	sst s0;
	s0 =	simm.s32 @!p1 $0x0  }
0x14: {  	s2 =	sld [smem:$0x3F9A];
	s0 =	simm.s32 @p1 $0x1  }
0x15: {  	[smem:$0x3FB7] =	sst s0;
	s0 =	simm.s32 @!p2 $0x0  }
0x16: {  	s3 =	sld [smem:$0x3FDB];
	s0 =	simm.s32 @p2 $0x1  }
0x17: {  	s4 =	simm.s32 $0x1BF5;
	[smem:$0x3FB9] =	sst s0  }
0x18: {  	s0 =	sld [smem:$0x3F9C];
	_ =	swait.ge [sflag:s4], $0x0  }
0x19: {  	s7 =	sld [smem:$0x3F9D]  }
0x1a: {  	s8 =	sadd.s32 $0xFFFFE003, lr  }
0x1b: {  	s9 =	sadd.s32 $0xFFFFFEF7, lr;
	s5 =	simm.s32 $0xFFFFFFFF;
	p2 =	slt.u32 s8, $0xFFFFF086  }
0x1c: {  	p1 =	slt.u32 s9, $0xF7A;
	s5 =	simm.s32 @!p2 $0x0  }
0x1d: {  	s5 =	simm.s32 @p1 $0x1;
	p0 =	seq.s32 s7, s2  }
0x1e: {  	s7 =	smul.u32 @!p0 $0xF7A, s2;
	p2 =	seq.s32 @!p0 s5, $0x0  }
0x1f: {  	s9 =	smul.u32 $0xF7A, s1;
	s8 =	simm.s32 @!p0 $0x1BF5;
	p2 =	por !p2, p0  }
0x20: {  	[sflag:s8] =	ssyncset.s32 @!p0 $0xFFFFF086;
	s6 =	sadd.s32 @!p0 s3, s7;
	s7 =	simm.s32 @!p0 $0x108  }
0x21: {  	s3 =	sadd.s32 s3, s9;
	s6 =	sadd.s32 @!p0 $0x88, s6;
	s7 =	simm.s32 @p2 $0x1082  }
0x22: {  	[simem:s7], [sflag:s8] =	dma.local @!p0 [hbm:s6], $0xF7A  }
0x23: {  	s9 =	sor.u32 $0xD0000000, s2;
	s6 =	simm.s32 $0x108;
	_ =	swait.ge @!p0 [sflag:s8], $0x0  }
0x24: {  	s3 =	sadd.s32 $0x88, s3;
	s6 =	simm.s32 @!p1 $0x1082;
	[sflag:s4] =	ssyncset.s32 $0xFFFFF086  }
0x25: {  	[simem:s6], [sflag:s4] =	dma.local [hbm:s3], $0xF7A  }
0x26: {  	[smem:$0x3F9D] =	sst s1;
	(tag) =	ssettag s2;
	_ =	strace s9  }
0x27: {  	s1 =	sld [smem:$0x3FAD]  }
0x28: {  	s2 =	sld [smem:$0x3FAE]  }
0x29: {  	s4 =	sld [smem:$0x3FB0]  }
0x2a: {  	p0 =	seq.s32 s5, $0x0;
	s5 =	sld [smem:$0x3FB1]  }
0x2b: {  	s6 =	sld [smem:$0x3FB2]  }
0x2c: {  	s7 =	sld [smem:$0x3FB3]  }
0x2d: {  	s3 =	simm.s32 $0x108;
	s8 =	sld [smem:$0x3FB4]  }
0x2e: {  	s3 =	simm.s32 @!p0 $0x1082;
	s9 =	sld [smem:$0x3FB5]  }
0x2f: {  	lr =	sadd.s32 s0, s3;
	s0 =	sld [smem:$0x3FAC]  }
0x30: {  	s3 =	sld [smem:$0x3FAF]  }
0x31: {  	[smem:$0x3FB8] =	sst s10  }
0x32: {  	s10 =	sld [smem:$0x3FB6];
	_ =	sdelay $0x3  }
0x33: {  	p0 =	seq.s32 s10, $0x1;
	s10 =	sld [smem:$0x3FB8];
	_ =	sdelay $0x3  }
0x34: {  	[smem:$0x3FB8] =	sst s10  }
0x35: {  	s10 =	sld [smem:$0x3FB7];
	_ =	sdelay $0x3  }
0x36: {  	p1 =	seq.s32 s10, $0x1;
	s10 =	sld [smem:$0x3FB8];
	_ =	sdelay $0x3  }
0x37: {  	[smem:$0x3FB8] =	sst s10  }
0x38: {  	s10 =	sld [smem:$0x3FB9]  }
0x39: {  	_ = 	snop;
	(pc) =	sbr.ind lr, $3  }
0x3a: {  	_ = 	snop  }
0x3b: {  	_ = 	snop  }
0x3c: {  	p2 =	seq.s32 s10, $0x1;
	s10 =	sld [smem:$0x3FB8]  }
0x3d: {  	_ =	shalt  }
0x3e: {  	_ =	shalt  }
0x3f: {  	_ =	shalt  }
0x40: {  	_ =	shalt  }
0x41: {  	_ =	shalt  }
0x42: {  	_ =	shalt  }
0x43: {  	_ =	shalt  }
0x44: {  	_ =	shalt  }
0x45: {  	_ =	shalt  }
0x46: {  	_ =	shalt  }
0x47: {  	_ =	shalt  }
0x48: {  	_ =	shalt  }
0x49: {  	_ =	shalt  }
0x4a: {  	_ =	shalt  }
0x4b: {  	_ =	shalt  }
0x4c: {  	_ =	shalt  }
0x4d: {  	_ =	shalt  }
0x4e: {  	_ =	shalt  }
0x4f: {  	_ =	shalt  }
0x50: {  	_ =	shalt  }
0x51: {  	_ =	shalt  }
0x52: {  	_ =	shalt  }
0x53: {  	_ =	shalt  }
0x54: {  	_ =	shalt  }
0x55: {  	_ =	shalt  }
0x56: {  	_ =	shalt  }
0x57: {  	_ =	shalt  }
0x58: {  	_ =	shalt  }
0x59: {  	_ =	shalt  }
0x5a: {  	_ =	shalt  }
0x5b: {  	_ =	shalt  }
0x5c: {  	_ =	shalt  }
0x5d: {  	_ =	shalt  }
0x5e: {  	_ =	shalt  }
0x5f: {  	_ =	shalt  }
0x60: {  	_ =	shalt  }
0x61: {  	_ =	shalt  }
0x62: {  	_ =	shalt  }
0x63: {  	_ =	shalt  }
0x64: {  	_ =	shalt  }
0x65: {  	_ =	shalt  }
0x66: {  	_ =	shalt  }
0x67: {  	_ =	shalt  }
0x68: {  	_ =	shalt  }
0x69: {  	_ =	shalt  }
0x6a: {  	_ =	shalt  }
0x6b: {  	_ =	shalt  }
0x6c: {  	_ =	shalt  }
0x6d: {  	_ =	shalt  }
0x6e: {  	_ =	shalt  }
0x6f: {  	_ =	shalt  }
0x70: {  	_ =	shalt  }
0x71: {  	_ =	shalt  }
0x72: {  	_ =	shalt  }
0x73: {  	_ =	shalt  }
0x74: {  	_ =	shalt  }
0x75: {  	_ =	shalt  }
0x76: {  	_ =	shalt  }
0x77: {  	_ =	shalt  }
0x78: {  	_ =	shalt  }
0x79: {  	_ =	shalt  }
0x7a: {  	_ =	shalt  }
0x7b: {  	_ =	shalt  }
0x7c: {  	_ =	shalt  }
0x7d: {  	_ =	shalt  }
0x7e: {  	_ =	shalt  }
0x7f: {  	_ =	shalt  }
0x80: {  	_ =	shalt  }
0x81: {  	_ =	shalt  }
0x82: {  	_ =	shalt  }
0x83: {  	_ =	shalt  }
0x84: {  	_ =	shalt  }
0x85: {  	_ =	shalt  }
0x86: {  	_ =	shalt  }
0x87: {  	_ =	shalt  }
.Lfunc_end0:
.L_simem_size_0:
called_computation_lowered:
.L_overlay_start_0:
0x88: {  	s2 =	sld [smem:$0x3FD9]  }
0x89: {  	s3 =	sld [smem:$0x3FFE];
	_ =	sdelay $0x1  }
0x8a: {  	s1 =	srdreg.scid  }
0x8b: {  	s0 =	sand.u32 $0x1, s1  }
0x8c: {  	s17 =	sshll.u32 s0, $0xA;
	s2 =	sadd.s32 s3, s2  }
0x8d: {  	s2 =	sadd.s32 s2, s17  }
0x8e: {  	[smem:$0x3FC4] =	sst s2  }
0x8f: {  	_ = 	snop  }
0x90: {  	s2 =	sld [smem:$0x3FD0];
	(tm) =	ssettm $0x1  }
0x91: {  	s18 =	sld [smem:$0x3FFB];
	_ =	sdelay $0x3  }
0x92: {  	_ =	strace s18  }
0x93: {  	s3 =	sld [smem:$0x3FFC];
	_ =	sdelay $0x3  }
0x94: {  	_ =	strace s3  }
0x95: {  	s3 =	sld [smem:$0x3FFD];
	_ =	sdelay $0x3  }
0x96: {  	_ =	strace s3  }
0x97: {  	_ =	strace $0x8FFFFFFF  }
0x98: {  	s19 =	sld [smem:$0x3FDB];
	_ =	sdelay $0x1  }
0x99: {  	s4 =	simm.s32 $_scs_section_size  }
0x9a: {  	s5 =	simm.s32 $_size__tile_overlayer_lowered;
	s6 =	simm.s32 $_tile_overlayer_lowered  }
0x9b: {  	s22 =	simm.s32 $0x1BFF;
	s21 =	sshll.u32 s6, $0x1;
	s3 =	sadd.s32 s4, s19  }
0x9c: {  	s7 =	simm.s32 $0x0;
	s20 =	sshll.u32 s5, $0x1;
	s5 =	sadd.s32 s21, s3  }
0x9d: {  	[timem:s7], [sflag:s22] =	dma.local [hbm:s5], s20  }
0x9e: {  	_ =	swait.ge [sflag:s22], s20  }
0x9f: {  	s4 =	ssub.s32 $0x0, s20;
	[sflag:s22] =	ssyncset.done $0x0  }
0xa0: {  	[sflag:s22] =	ssyncadd.s32 s4;
	_ =	sdelay $0x1  }
0xa1: {  	s23 =	simm.s32 $0x1B8B  }
0xa2: {  	_ =	swait.ge [sflag:s23], $0x1  }
0xa3: {  	[sflag:s23] =	ssyncset.done $0x0  }
0xa4: {  	s25 =	simm.s32 $0x1B8E;
	s24 =	sld [smem:$0x3FFE];
	[sflag:s23] =	ssyncadd.s32 $0xFFFFFFFF  }
0xa5: {  	s26 =	simm.s32 $execute0_lowered;
	[smem:$0x3FD2] =	sst s25  }
0xa6: {  	s5 =	sshll.u32 s26, $0x1;
	_ =	strace $0x80000046;
	[dreg:$0x1] =	wrdreg $0xFFFFFFFF  }
0xa7: {  	s28 =	simm.s32 $_size_execute0_lowered;
	s3 =	sadd.s32 s3, s5;
	[dreg:$0x0] =	wrdreg $0x0  }
0xa8: {  	s5 =	sshll.u32 s28, $0x1;
	[dreg:$0x2] =	wrdreg s3  }
0xa9: {  	[dreg:$0x3] =	wrdreg s5  }
0xaa: {  	[dreg:$0x4] =	wrdreg $0xC0  }
0xab: {  	_ =	task [dreg:s7], $0x5FFFF  }
0xac: {  	[dreg:$0x1] =	wrdreg $0xFFFFFFFF  }
0xad: {  	[dreg:$0x0] =	wrdreg $0x60  }
0xae: {  	[dreg:$0x2] =	wrdreg s24  }
0xaf: {  	[dreg:$0x3] =	wrdreg s2  }
0xb0: {  	[dreg:$0x4] =	wrdreg $0x9  }
0xb1: {  	_ =	task.clear_ibuf [dreg:s7], $0x5FFFF;
	_ =	strace $0x90000046  }
0xb2: {  	s29 =	simm.s32 $0x9;
	_ =	strace $0x80000048  }
0xb3: {  	_ =	swait.ge [sflag:s29], $0x1  }
0xb4: {  	[sflag:s29] =	ssyncadd.s32 $0xFFFFFFFF  }
0xb5: {  	_ =	strace $0x90000048  }
0xb6: {  	_ =	sfence  }
0xb7: {  	s30 =	sld [smem:$0x0];
	_ =	sdelay $0x2  }
0xb8: {  	s31 =	sshll.u32 s1, $0xD;
	s1 =	sshrl.u32 s1, $0x2  }
0xb9: {  	s3 =	sand.u32 $0x4000, s31;
	s1 =	sadd.s32 s1, s30  }
0xba: {  	s0 =	sor.u32 s3, s0;
	s1 =	sshll.u32 s1, $0x11  }
0xbb: {  	s0 =	sor.u32 s1, s0  }
0xbc: {  	s0 =	sadd.s32 $0x8F2B, s0  }
0xbd: {  	[sflag:s0] =	ssyncadd.remote.s32 $0x1  }
0xbe: {  	_ =	sfence.sel $0xFFFF  }
0xbf: {  	[dreg:$0x0] =	wrdreg $0xFFFFFFFF;
	(pc) =	sbr.abs _section_cstart, $3  }
0xc0: {  	[dreg:$0x1] =	wrdreg $0xFFFFFFFF  }
0xc1: {  	_ =	task.clear_ibuf [dreg:s7], $0x2FFFF;
	_ =	strace $0x9FFFFFFF  }
0xc2: {  	(tm) =	ssettm $0x7FFFFFFF  }
0xc3: {  	_ =	shalt  }
tec
execute0_lowered:
.L_overlay_start_1:
0x0: {  	(tag) =	ssettag $0x1  }
0x1: {  	s0 =	rddreg [dreg:$0x0];
	s1 =	srdreg.scid  }
0x2: {  	s3 =	stileid.u32;
	s2 =	rddreg [dreg:$0x1];
	s4 =	simm.s32 $0x0  }
0x3: {  	s31 =	simm.s32 $0x1;
	s1 =	sand.u32 $0x1, s1;
	s3 =	sshll.u32 s3, $0x1  }
0x4: {  	[smem:$0x7FF] =	sst s4;
	s5 =	sadd.s32 $0xA00, s0;
	s0 =	sadd.s32 $0x308A00, s0  }
0x5: {  	s3 =	sor.u32 s1, s3;
	_ =	strace $0x80000047;
	[smem:$0x7F5] =	sst s0  }
0x6: {  	s1 =	ssub.s32 $0x2, s1;
	[smem:$0x7FB] =	sst s5;
	s26 =	smul.u32 $0x3000, s3  }
0x7: {  	[dreg:$0x3] =	wrdreg s31;
	s28 =	sshrl.u32 s1, $0x1  }
0x8: {  	s0 =	ssub.s32 s1, s28;
	[smem:$0x7F6] =	sst s26;
	s4 =	sadd.s32 $0xC2000, s26  }
0x9: {  	s3 =	sshrl.u32 s26, $0x3;
	s0 =	smax.u32 s0, $0x1;
	[smem:$0x7FA] =	sst s4  }
0xa: {  	s2 =	sadd.s32 s2, s3;
	[smem:$0x7FD] =	sst s0  }
0xb: {  	s29 =	sadd.s32 s5, s3;
	[smem:$0x7F7] =	sst s2  }
0xc: {  	s30 =	sshrl.u32 s4, $0x3;
	[smem:$0x7F8] =	sst s29;
	s1 =	sadd.s32 $0xC200, s29  }
0xd: {  	[smem:$0x7F9] =	sst s1;
	s1 =	sadd.s32 s5, s30  }
0xe: {  	s2 =	simm.s32 $0x0;
	[smem:$0x7FC] =	sst s1  }
.LBB2_1:
0xf: {  	s1 =	sld [smem:$0x7F7];
	_ =	sdelay $0x1  }
0x10: {  	[smem:$0x7F4] =	sst s2;
	s0 =	simm.s32 $0x0;
	s24 =	simm.s32 $0x7  }
0x11: {  	[tilespmem:s0], [sflag:$0x7] =	stream.linear.gather [hbm4b:s1+s0], $0x4000, $0x38;
	[tilespmem:$0x10000] =	vst v63  }
0x12: {  	_ =	swait.ge [sflag:s24], $0x4000  }
0x13: {  	s25 =	sld [smem:$0x7F8]  }
0x14: {  	[sflag:s24] =	ssyncset.done $0x0  }
0x15: {  	s26 =	simm.s32 $0x4000;
	s28 =	sld [smem:$0x7F9];
	[sflag:s24] =	ssyncadd.s32 $0xFFFFC000  }
0x16: {  	[tilespmem:s26], [sflag:$0x1] =	stream.linear.gather [hbm4b:s25+s0], $0x4000, $0x38;
	[tilespmem:$0x10000] =	vst v63  }
0x17: {  	s29 =	simm.s32 $0x8000;
	s30 =	sld [smem:$0x7FC]  }
0x18: {  	[tilespmem:s29], [sflag:$0x2] =	stream.linear.gather [hbm4b:s28+s0], $0x4000, $0x38;
	[tilespmem:$0x10000] =	vst v63  }
0x19: {  	s31 =	simm.s32 $0xC000;
	s6 =	simm.s32 $0x0  }
0x1a: {  	[tilespmem:s31], [sflag:$0x3] =	stream.linear.gather [hbm4b:s30+s0], $0x4000, $0x38;
	[tilespmem:$0x10000] =	vst v63  }
.LBB2_2:
0x1b: {  	s0 =	smul.u32 $0xAB, s6;
	_ =	sdelay $0x1  }
0x1c: {  	s0 =	sshrl.u32 s0, $0x9  }
0x1d: {  	s0 =	sand.u32 $0x7F, s0  }
0x1e: {  	s0 =	smul.u32 $0x3, s0;
	_ =	sdelay $0x1  }
0x1f: {  	s0 =	ssub.s32 s6, s0  }
0x20: {  	s3 =	sand.u32 $0xFF, s0  }
0x21: {  	[smem:$0x7F2] =	sst s6;
	s28 =	simm.s32 $0x0;
	s0 =	sadd.s32 $0x1, s3  }
0x22: {  	s2 =	sand.u32 $0x200, s28;
	_ =	swait.ge [sflag:s0], $0x4000  }
0x23: {  	s26 =	sand.u32 $0x3000, s28;
	s7 =	sor.u32 $0x180, s2;
	[sflag:s0] =	ssyncset.done $0x0  }
0x24: {  	s1 =	sor.u32 s7, s26;
	[sflag:s0] =	ssyncadd.s32 $0xFFFFC000  }
0x25: {  	s8 =	sor.u32 $0x80, s2;
	s9 =	sor.u32 $0x100, s2;
	v0 =	vld [tilespmem:s1+$0x0]  }
0x26: {  	s5 =	sor.u32 s8, s26;
	s29 =	sshll.u32 s3, $0xE;
	[smem:$0x7F3] =	sst s3  }
0x27: {  	s30 =	sor.u32 s9, s26;
	s0 =	sadd.s32 $0x4000, s29;
	v1 =	vld [tilespmem:s5+$0x0]  }
0x28: {  	s4 =	sor.u32 s2, s26;
	s6 =	sadd.s32 s26, s0;
	v2 =	vld [tilespmem:s30+$0x0];
	[dreg:$0x4] =	wrdreg s0  }
0x29: {  	s0 =	sadd.s32 s7, s6;
	v3 =	vld [tilespmem:s4+$0x0]  }
0x2a: {  	[tilespmem:s0+$0x0] =	vst.add.f32.msk $0xffff, v0  }
0x2b: {  	s10 =	sadd.s32 s8, s6;
	v0 =	vld [tilespmem:s1+$0x10]  }
0x2c: {  	s9 =	sadd.s32 s9, s6;
	[tilespmem:s10+$0x0] =	vst.add.f32.msk $0xffff, v1  }
0x2d: {  	s7 =	sadd.s32 s2, s6;
	[tilespmem:s9+$0x0] =	vst.add.f32.msk $0xffff, v2  }
0x2e: {  	[tilespmem:s7+$0x0] =	vst.add.f32.msk $0xffff, v3  }
0x2f: {  	v1 =	vld [tilespmem:s5+$0x10]  }
0x30: {  	v2 =	vld [tilespmem:s30+$0x10]  }
0x31: {  	v3 =	vld [tilespmem:s4+$0x10]  }
0x32: {  	[tilespmem:s0+$0x10] =	vst.add.f32.msk $0xffff, v0  }
0x33: {  	v0 =	vld [tilespmem:s1+$0x20]  }
0x34: {  	[tilespmem:s10+$0x10] =	vst.add.f32.msk $0xffff, v1  }
0x35: {  	[tilespmem:s9+$0x10] =	vst.add.f32.msk $0xffff, v2  }
0x36: {  	v1 =	vld [tilespmem:s5+$0x20]  }
0x37: {  	[tilespmem:s7+$0x10] =	vst.add.f32.msk $0xffff, v3  }
0x38: {  	v2 =	vld [tilespmem:s30+$0x20]  }
0x39: {  	v3 =	vld [tilespmem:s4+$0x20]  }
0x3a: {  	[tilespmem:s0+$0x20] =	vst.add.f32.msk $0xffff, v0  }
0x3b: {  	v0 =	vld [tilespmem:s1+$0x30]  }
0x3c: {  	[tilespmem:s10+$0x20] =	vst.add.f32.msk $0xffff, v1  }
0x3d: {  	[tilespmem:s9+$0x20] =	vst.add.f32.msk $0xffff, v2  }
0x3e: {  	v1 =	vld [tilespmem:s5+$0x30]  }
0x3f: {  	v2 =	vld [tilespmem:s30+$0x30]  }
0x40: {  	[tilespmem:s0+$0x30] =	vst.add.f32.msk $0xffff, v0  }
0x41: {  	v0 =	vld [tilespmem:s1+$0x40]  }
0x42: {  	[tilespmem:s7+$0x20] =	vst.add.f32.msk $0xffff, v3  }
0x43: {  	v3 =	vld [tilespmem:s4+$0x30]  }
0x44: {  	[tilespmem:s10+$0x30] =	vst.add.f32.msk $0xffff, v1  }
0x45: {  	[tilespmem:s9+$0x30] =	vst.add.f32.msk $0xffff, v2  }
0x46: {  	[tilespmem:s0+$0x40] =	vst.add.f32.msk $0xffff, v0  }
0x47: {  	v0 =	vld [tilespmem:s1+$0x50]  }
0x48: {  	v1 =	vld [tilespmem:s5+$0x40]  }
0x49: {  	[tilespmem:s7+$0x30] =	vst.add.f32.msk $0xffff, v3  }
0x4a: {  	v2 =	vld [tilespmem:s30+$0x40]  }
0x4b: {  	v3 =	vld [tilespmem:s4+$0x40]  }
0x4c: {  	[tilespmem:s0+$0x50] =	vst.add.f32.msk $0xffff, v0  }
0x4d: {  	v0 =	vld [tilespmem:s1+$0x60]  }
0x4e: {  	[tilespmem:s10+$0x40] =	vst.add.f32.msk $0xffff, v1  }
0x4f: {  	[tilespmem:s9+$0x40] =	vst.add.f32.msk $0xffff, v2  }
0x50: {  	v1 =	vld [tilespmem:s5+$0x50]  }
0x51: {  	v2 =	vld [tilespmem:s30+$0x50]  }
0x52: {  	[tilespmem:s0+$0x60] =	vst.add.f32.msk $0xffff, v0  }
0x53: {  	v0 =	vld [tilespmem:s1+$0x70]  }
0x54: {  	[tilespmem:s7+$0x40] =	vst.add.f32.msk $0xffff, v3  }
0x55: {  	v3 =	vld [tilespmem:s4+$0x50]  }
0x56: {  	[tilespmem:s10+$0x50] =	vst.add.f32.msk $0xffff, v1  }
0x57: {  	[tilespmem:s9+$0x50] =	vst.add.f32.msk $0xffff, v2  }
0x58: {  	[tilespmem:s0+$0x70] =	vst.add.f32.msk $0xffff, v0  }
0x59: {  	v0 =	vld [tilespmem:s1+$0x400]  }
0x5a: {  	v1 =	vld [tilespmem:s5+$0x60]  }
0x5b: {  	[tilespmem:s7+$0x50] =	vst.add.f32.msk $0xffff, v3  }
0x5c: {  	v2 =	vld [tilespmem:s30+$0x60]  }
0x5d: {  	v3 =	vld [tilespmem:s4+$0x60]  }
0x5e: {  	[tilespmem:s0+$0x400] =	vst.add.f32.msk $0xffff, v0  }
0x5f: {  	v0 =	vld [tilespmem:s1+$0x410]  }
0x60: {  	[tilespmem:s10+$0x60] =	vst.add.f32.msk $0xffff, v1  }
0x61: {  	[tilespmem:s9+$0x60] =	vst.add.f32.msk $0xffff, v2  }
0x62: {  	v1 =	vld [tilespmem:s5+$0x70]  }
0x63: {  	v2 =	vld [tilespmem:s30+$0x70]  }
0x64: {  	[tilespmem:s0+$0x410] =	vst.add.f32.msk $0xffff, v0  }
0x65: {  	v0 =	vld [tilespmem:s1+$0x420]  }
0x66: {  	[tilespmem:s7+$0x60] =	vst.add.f32.msk $0xffff, v3  }
0x67: {  	v3 =	vld [tilespmem:s4+$0x70]  }
0x68: {  	[tilespmem:s10+$0x70] =	vst.add.f32.msk $0xffff, v1  }
0x69: {  	[tilespmem:s9+$0x70] =	vst.add.f32.msk $0xffff, v2  }
0x6a: {  	[tilespmem:s0+$0x420] =	vst.add.f32.msk $0xffff, v0  }
0x6b: {  	v0 =	vld [tilespmem:s1+$0x430]  }
0x6c: {  	v1 =	vld [tilespmem:s5+$0x400]  }
0x6d: {  	[tilespmem:s7+$0x70] =	vst.add.f32.msk $0xffff, v3  }
0x6e: {  	v2 =	vld [tilespmem:s30+$0x400]  }
0x6f: {  	v3 =	vld [tilespmem:s4+$0x400]  }
0x70: {  	[tilespmem:s0+$0x430] =	vst.add.f32.msk $0xffff, v0  }
0x71: {  	v0 =	vld [tilespmem:s1+$0x440]  }
0x72: {  	[tilespmem:s10+$0x400] =	vst.add.f32.msk $0xffff, v1  }
0x73: {  	[tilespmem:s9+$0x400] =	vst.add.f32.msk $0xffff, v2  }
0x74: {  	[tilespmem:s7+$0x400] =	vst.add.f32.msk $0xffff, v3  }
0x75: {  	v1 =	vld [tilespmem:s5+$0x410]  }
0x76: {  	[tilespmem:s0+$0x440] =	vst.add.f32.msk $0xffff, v0  }
0x77: {  	v0 =	vld [tilespmem:s1+$0x450]  }
0x78: {  	v2 =	vld [tilespmem:s30+$0x410]  }
0x79: {  	v3 =	vld [tilespmem:s4+$0x410]  }
0x7a: {  	[tilespmem:s10+$0x410] =	vst.add.f32.msk $0xffff, v1  }
0x7b: {  	v1 =	vld [tilespmem:s5+$0x420]  }
0x7c: {  	[tilespmem:s0+$0x450] =	vst.add.f32.msk $0xffff, v0  }
0x7d: {  	v0 =	vld [tilespmem:s1+$0x460]  }
0x7e: {  	s2 =	rddreg [dreg:$0x3];
	[tilespmem:s9+$0x410] =	vst.add.f32.msk $0xffff, v2  }
0x7f: {  	[tilespmem:s7+$0x410] =	vst.add.f32.msk $0xffff, v3  }
0x80: {  	[tilespmem:s10+$0x420] =	vst.add.f32.msk $0xffff, v1  }
0x81: {  	v2 =	vld [tilespmem:s30+$0x420]  }
0x82: {  	v3 =	vld [tilespmem:s4+$0x420]  }
0x83: {  	v1 =	vld [tilespmem:s5+$0x430]  }
0x84: {  	[tilespmem:s0+$0x460] =	vst.add.f32.msk $0xffff, v0  }
0x85: {  	v0 =	vld [tilespmem:s1+$0x470]  }
0x86: {  	[tilespmem:s9+$0x420] =	vst.add.f32.msk $0xffff, v2  }
0x87: {  	p0 =	por $0x0, $0x0;
	[tilespmem:s7+$0x420] =	vst.add.f32.msk $0xffff, v3  }
0x88: {  	s2 =	simm.s32 @!p0 $0x0;
	[tilespmem:s10+$0x430] =	vst.add.f32.msk $0xffff, v1  }
0x89: {  	s8 =	sshll.u32 s2, $0x9;
	v2 =	vld [tilespmem:s30+$0x430]  }
0x8a: {  	s1 =	sadd.s32 $0x0, s8;
	v3 =	vld [tilespmem:s4+$0x430]  }
0x8b: {  	s2 =	sadd.s32 $0x180, s1;
	v1 =	vld [tilespmem:s5+$0x440]  }
0x8c: {  	s11 =	sor.u32 $0x800, s2;
	[tilespmem:s0+$0x470] =	vst.add.f32.msk $0xffff, v0  }
0x8d: {  	v0 =	vld [tilespmem:s11+$0x0]  }
0x8e: {  	[tilespmem:s9+$0x430] =	vst.add.f32.msk $0xffff, v2  }
0x8f: {  	[tilespmem:s7+$0x430] =	vst.add.f32.msk $0xffff, v3  }
0x90: {  	[tilespmem:s10+$0x440] =	vst.add.f32.msk $0xffff, v1  }
0x91: {  	v2 =	vld [tilespmem:s30+$0x440]  }
0x92: {  	v3 =	vld [tilespmem:s4+$0x440]  }
0x93: {  	v1 =	vld [tilespmem:s5+$0x450]  }
0x94: {  	s12 =	sor.u32 $0x810, s2;
	[tilespmem:s0+$0x800] =	vst.add.f32.msk $0xffff, v0  }
0x95: {  	v0 =	vld [tilespmem:s12+$0x0]  }
0x96: {  	[tilespmem:s9+$0x440] =	vst.add.f32.msk $0xffff, v2  }
0x97: {  	[tilespmem:s7+$0x440] =	vst.add.f32.msk $0xffff, v3  }
0x98: {  	[tilespmem:s10+$0x450] =	vst.add.f32.msk $0xffff, v1  }
0x99: {  	v2 =	vld [tilespmem:s30+$0x450]  }
0x9a: {  	v3 =	vld [tilespmem:s4+$0x450]  }
0x9b: {  	v1 =	vld [tilespmem:s5+$0x460]  }
0x9c: {  	s13 =	sor.u32 $0x820, s2;
	[tilespmem:s0+$0x810] =	vst.add.f32.msk $0xffff, v0  }
0x9d: {  	v0 =	vld [tilespmem:s13+$0x0]  }
0x9e: {  	[tilespmem:s9+$0x450] =	vst.add.f32.msk $0xffff, v2  }
0x9f: {  	[tilespmem:s7+$0x450] =	vst.add.f32.msk $0xffff, v3  }
0xa0: {  	[tilespmem:s10+$0x460] =	vst.add.f32.msk $0xffff, v1  }
0xa1: {  	v2 =	vld [tilespmem:s30+$0x460]  }
0xa2: {  	v3 =	vld [tilespmem:s4+$0x460]  }
0xa3: {  	v1 =	vld [tilespmem:s5+$0x470]  }
0xa4: {  	s14 =	sor.u32 $0x830, s2;
	[tilespmem:s0+$0x820] =	vst.add.f32.msk $0xffff, v0  }
0xa5: {  	v0 =	vld [tilespmem:s14+$0x0]  }
0xa6: {  	[tilespmem:s9+$0x460] =	vst.add.f32.msk $0xffff, v2  }
0xa7: {  	[tilespmem:s7+$0x460] =	vst.add.f32.msk $0xffff, v3  }
0xa8: {  	[tilespmem:s10+$0x470] =	vst.add.f32.msk $0xffff, v1  }
0xa9: {  	s3 =	sadd.s32 $0x80, s1;
	v2 =	vld [tilespmem:s30+$0x470]  }
0xaa: {  	s19 =	sor.u32 $0x800, s3;
	v3 =	vld [tilespmem:s4+$0x470]  }
0xab: {  	v1 =	vld [tilespmem:s19+$0x0]  }
0xac: {  	s15 =	sor.u32 $0x840, s2;
	[tilespmem:s0+$0x830] =	vst.add.f32.msk $0xffff, v0  }
0xad: {  	v0 =	vld [tilespmem:s15+$0x0]  }
0xae: {  	[tilespmem:s9+$0x470] =	vst.add.f32.msk $0xffff, v2  }
0xaf: {  	s4 =	sadd.s32 $0x100, s1;
	[tilespmem:s7+$0x470] =	vst.add.f32.msk $0xffff, v3  }
0xb0: {  	s21 =	sor.u32 $0x800, s4;
	[tilespmem:s10+$0x800] =	vst.add.f32.msk $0xffff, v1  }
0xb1: {  	s22 =	sor.u32 $0x800, s1;
	v2 =	vld [tilespmem:s21+$0x0]  }
0xb2: {  	s24 =	sor.u32 $0x810, s3;
	v3 =	vld [tilespmem:s22+$0x0]  }
0xb3: {  	v1 =	vld [tilespmem:s24+$0x0]  }
0xb4: {  	s16 =	sor.u32 $0x850, s2;
	[tilespmem:s0+$0x840] =	vst.add.f32.msk $0xffff, v0  }
0xb5: {  	v0 =	vld [tilespmem:s16+$0x0]  }
0xb6: {  	[tilespmem:s9+$0x800] =	vst.add.f32.msk $0xffff, v2  }
0xb7: {  	[tilespmem:s7+$0x800] =	vst.add.f32.msk $0xffff, v3  }
0xb8: {  	s26 =	sor.u32 $0x810, s4;
	[tilespmem:s10+$0x810] =	vst.add.f32.msk $0xffff, v1  }
0xb9: {  	s29 =	sor.u32 $0x810, s1;
	v2 =	vld [tilespmem:s26+$0x0]  }
0xba: {  	s30 =	sor.u32 $0x820, s3;
	v3 =	vld [tilespmem:s29+$0x0]  }
0xbb: {  	v1 =	vld [tilespmem:s30+$0x0]  }
0xbc: {  	s17 =	sor.u32 $0x860, s2;
	[tilespmem:s0+$0x850] =	vst.add.f32.msk $0xffff, v0  }
0xbd: {  	v0 =	vld [tilespmem:s17+$0x0]  }
0xbe: {  	[tilespmem:s9+$0x810] =	vst.add.f32.msk $0xffff, v2  }
0xbf: {  	[tilespmem:s7+$0x810] =	vst.add.f32.msk $0xffff, v3  }
0xc0: {  	s8 =	sor.u32 $0x820, s4;
	[tilespmem:s10+$0x820] =	vst.add.f32.msk $0xffff, v1  }
0xc1: {  	s11 =	sor.u32 $0x820, s1;
	v2 =	vld [tilespmem:s8+$0x0]  }
0xc2: {  	s12 =	sor.u32 $0x830, s3;
	v3 =	vld [tilespmem:s11+$0x0]  }
0xc3: {  	v1 =	vld [tilespmem:s12+$0x0]  }
0xc4: {  	s18 =	sor.u32 $0x870, s2;
	[tilespmem:s0+$0x860] =	vst.add.f32.msk $0xffff, v0  }
0xc5: {  	v0 =	vld [tilespmem:s18+$0x0]  }
0xc6: {  	[tilespmem:s9+$0x820] =	vst.add.f32.msk $0xffff, v2  }
0xc7: {  	[tilespmem:s7+$0x820] =	vst.add.f32.msk $0xffff, v3  }
0xc8: {  	s13 =	sor.u32 $0x830, s4;
	[tilespmem:s10+$0x830] =	vst.add.f32.msk $0xffff, v1  }
0xc9: {  	s14 =	sor.u32 $0x830, s1;
	v2 =	vld [tilespmem:s13+$0x0]  }
0xca: {  	v3 =	vld [tilespmem:s14+$0x0]  }
0xcb: {  	s20 =	sor.u32 $0xC00, s2;
	[tilespmem:s0+$0x870] =	vst.add.f32.msk $0xffff, v0  }
0xcc: {  	s15 =	sor.u32 $0x840, s3;
	v0 =	vld [tilespmem:s20+$0x0]  }
0xcd: {  	v1 =	vld [tilespmem:s15+$0x0]  }
0xce: {  	[tilespmem:s9+$0x830] =	vst.add.f32.msk $0xffff, v2  }
0xcf: {  	s16 =	sor.u32 $0x840, s4;
	[tilespmem:s7+$0x830] =	vst.add.f32.msk $0xffff, v3  }
0xd0: {  	v2 =	vld [tilespmem:s16+$0x0]  }
0xd1: {  	s23 =	sor.u32 $0xC10, s2;
	[tilespmem:s0+$0xC00] =	vst.add.f32.msk $0xffff, v0  }
0xd2: {  	v0 =	vld [tilespmem:s23+$0x0]  }
0xd3: {  	s17 =	sor.u32 $0x840, s1;
	[tilespmem:s10+$0x840] =	vst.add.f32.msk $0xffff, v1  }
0xd4: {  	v3 =	vld [tilespmem:s17+$0x0]  }
0xd5: {  	s19 =	sor.u32 $0x850, s4;
	[tilespmem:s9+$0x840] =	vst.add.f32.msk $0xffff, v2  }
0xd6: {  	v1 =	vld [tilespmem:s19+$0x0]  }
0xd7: {  	s25 =	sor.u32 $0xC20, s2;
	[tilespmem:s0+$0xC10] =	vst.add.f32.msk $0xffff, v0  }
0xd8: {  	v0 =	vld [tilespmem:s25+$0x0]  }
0xd9: {  	s20 =	sor.u32 $0x850, s1;
	[tilespmem:s7+$0x840] =	vst.add.f32.msk $0xffff, v3  }
0xda: {  	v2 =	vld [tilespmem:s20+$0x0];
	_ =	sdelay $0x1  }
0xdb: {  	[tilespmem:s9+$0x850] =	vst.add.f32.msk $0xffff, v1  }
0xdc: {  	s6 =	sor.u32 $0xC30, s2;
	[tilespmem:s0+$0xC20] =	vst.add.f32.msk $0xffff, v0  }
0xdd: {  	v0 =	vld [tilespmem:s6+$0x0]  }
0xde: {  	s23 =	sor.u32 $0x860, s4;
	[tilespmem:s7+$0x850] =	vst.add.f32.msk $0xffff, v2  }
0xdf: {  	s24 =	sor.u32 $0x860, s1;
	v1 =	vld [tilespmem:s23+$0x0]  }
0xe0: {  	v2 =	vld [tilespmem:s24+$0x0];
	_ =	sdelay $0x1  }
0xe1: {  	s18 =	sor.u32 $0x850, s3;
	[tilespmem:s0+$0xC30] =	vst.add.f32.msk $0xffff, v0  }
0xe2: {  	v0 =	vld [tilespmem:s18+$0x0]  }
0xe3: {  	[tilespmem:s9+$0x860] =	vst.add.f32.msk $0xffff, v1  }
0xe4: {  	s26 =	sor.u32 $0x870, s4;
	[tilespmem:s7+$0x860] =	vst.add.f32.msk $0xffff, v2  }
0xe5: {  	s29 =	sor.u32 $0x870, s1;
	v1 =	vld [tilespmem:s26+$0x0]  }
0xe6: {  	v2 =	vld [tilespmem:s29+$0x0]  }
0xe7: {  	s22 =	sor.u32 $0x860, s3;
	[tilespmem:s10+$0x850] =	vst.add.f32.msk $0xffff, v0  }
0xe8: {  	s21 =	sor.u32 $0xC40, s2;
	v0 =	vld [tilespmem:s22+$0x0]  }
0xe9: {  	v3 =	vld [tilespmem:s21+$0x0]  }
0xea: {  	[tilespmem:s9+$0x870] =	vst.add.f32.msk $0xffff, v1  }
0xeb: {  	s8 =	sor.u32 $0xC00, s4;
	[tilespmem:s7+$0x870] =	vst.add.f32.msk $0xffff, v2  }
0xec: {  	v1 =	vld [tilespmem:s8+$0x0]  }
0xed: {  	s25 =	sor.u32 $0x870, s3;
	[tilespmem:s10+$0x860] =	vst.add.f32.msk $0xffff, v0  }
0xee: {  	s11 =	sor.u32 $0xC00, s1;
	v0 =	vld [tilespmem:s25+$0x0]  }
0xef: {  	v2 =	vld [tilespmem:s11+$0x0]  }
0xf0: {  	s30 =	sor.u32 $0xC50, s2;
	[tilespmem:s0+$0xC40] =	vst.add.f32.msk $0xffff, v3  }
0xf1: {  	v3 =	vld [tilespmem:s30+$0x0]  }
0xf2: {  	[tilespmem:s9+$0xC00] =	vst.add.f32.msk $0xffff, v1  }
0xf3: {  	s6 =	sor.u32 $0xC00, s3;
	[tilespmem:s10+$0x870] =	vst.add.f32.msk $0xffff, v0  }
0xf4: {  	v0 =	vld [tilespmem:s6+$0x0]  }
0xf5: {  	s13 =	sor.u32 $0xC10, s4;
	[tilespmem:s7+$0xC00] =	vst.add.f32.msk $0xffff, v2  }
0xf6: {  	s14 =	sor.u32 $0xC10, s1;
	v1 =	vld [tilespmem:s13+$0x0]  }
0xf7: {  	v2 =	vld [tilespmem:s14+$0x0]  }
0xf8: {  	[tilespmem:s0+$0xC50] =	vst.add.f32.msk $0xffff, v3  }
0xf9: {  	s12 =	sor.u32 $0xC10, s3;
	[tilespmem:s10+$0xC00] =	vst.add.f32.msk $0xffff, v0  }
0xfa: {  	s15 =	sor.u32 $0xC60, s2;
	v0 =	vld [tilespmem:s12+$0x0]  }
0xfb: {  	v3 =	vld [tilespmem:s15+$0x0]  }
0xfc: {  	[tilespmem:s9+$0xC10] =	vst.add.f32.msk $0xffff, v1  }
0xfd: {  	s17 =	sor.u32 $0xC20, s4;
	[tilespmem:s7+$0xC10] =	vst.add.f32.msk $0xffff, v2  }
0xfe: {  	v1 =	vld [tilespmem:s17+$0x0]  }
0xff: {  	s16 =	sor.u32 $0xC20, s3;
	[tilespmem:s10+$0xC10] =	vst.add.f32.msk $0xffff, v0  }
0x100: {  	s18 =	sor.u32 $0xC20, s1;
	v0 =	vld [tilespmem:s16+$0x0]  }
0x101: {  	v2 =	vld [tilespmem:s18+$0x0]  }
0x102: {  	[tilespmem:s0+$0xC60] =	vst.add.f32.msk $0xffff, v3  }
0x103: {  	s20 =	sor.u32 $0xC30, s4;
	[tilespmem:s9+$0xC20] =	vst.add.f32.msk $0xffff, v1  }
0x104: {  	v1 =	vld [tilespmem:s20+$0x0]  }
0x105: {  	s19 =	sor.u32 $0xC30, s3;
	[tilespmem:s10+$0xC20] =	vst.add.f32.msk $0xffff, v0  }
0x106: {  	v0 =	vld [tilespmem:s19+$0x0]  }
0x107: {  	s21 =	sor.u32 $0xC30, s1;
	[tilespmem:s7+$0xC20] =	vst.add.f32.msk $0xffff, v2  }
0x108: {  	s2 =	sor.u32 $0xC70, s2;
	v2 =	vld [tilespmem:s21+$0x0]  }
0x109: {  	v3 =	vld [tilespmem:s2+$0x0]  }
0x10a: {  	[tilespmem:s9+$0xC30] =	vst.add.f32.msk $0xffff, v1  }
0x10b: {  	s22 =	sor.u32 $0xC40, s3;
	[tilespmem:s10+$0xC30] =	vst.add.f32.msk $0xffff, v0  }
0x10c: {  	v0 =	vld [tilespmem:s22+$0x0]  }
0x10d: {  	s23 =	sor.u32 $0xC40, s4;
	[tilespmem:s7+$0xC30] =	vst.add.f32.msk $0xffff, v2  }
0x10e: {  	s24 =	sor.u32 $0xC40, s1;
	v1 =	vld [tilespmem:s23+$0x0]  }
0x10f: {  	v2 =	vld [tilespmem:s24+$0x0]  }
0x110: {  	[tilespmem:s0+$0xC70] =	vst.add.f32.msk $0xffff, v3  }
0x111: {  	s25 =	sor.u32 $0xC50, s3;
	[tilespmem:s10+$0xC40] =	vst.add.f32.msk $0xffff, v0  }
0x112: {  	v0 =	vld [tilespmem:s25+$0x0]  }
0x113: {  	[tilespmem:s9+$0xC40] =	vst.add.f32.msk $0xffff, v1  }
0x114: {  	s26 =	sor.u32 $0xC50, s4;
	[tilespmem:s7+$0xC40] =	vst.add.f32.msk $0xffff, v2  }
0x115: {  	s29 =	sor.u32 $0xC50, s1;
	v2 =	vld [tilespmem:s26+$0x0]  }
0x116: {  	s31 =	simm.s32 $0x0;
	s8 =	sor.u32 $0xC60, s1;
	v1 =	vld [tilespmem:s29+$0x0]  }
0x117: {  	s30 =	sor.u32 $0xC60, s3;
	s3 =	sor.u32 $0xC70, s3;
	s6 =	sor.u32 $0xC60, s4;
	[tilespmem:s10+$0xC50] =	vst.add.f32.msk $0xffff, v0  }
0x118: {  	s4 =	sor.u32 $0xC70, s4;
	s2 =	sor.u32 $0xC70, s1;
	s1 =	simm.s32 $0x200;
	v0 =	vld [tilespmem:s30+$0x0]  }
.LBB2_3:
0x119: {  	s0 =	sand.u32 $0x200, s1;
	s28 =	sadd.s32 $0x800, s28  }
0x11a: {  	s24 =	sand.u32 $0x3000, s28;
	s25 =	sor.u32 $0x180, s0  }
0x11b: {  	s5 =	sor.u32 $0x80, s0;
	s29 =	sor.u32 s25, s24  }
0x11c: {  	s11 =	sor.u32 s5, s24;
	v3 =	vld [tilespmem:s29+$0x0]  }
0x11d: {  	v4 =	vld [tilespmem:s11+$0x0]  }
0x11e: {  	[tilespmem:s9+$0xC50] =	vst.add.f32.msk $0xffff, v2  }
0x11f: {  	[dreg:$0xa] =	wrdreg s10;
	s26 =	sor.u32 $0x100, s0;
	[tilespmem:s7+$0xC50] =	vst.add.f32.msk $0xffff, v1  }
0x120: {  	[dreg:$0x9] =	wrdreg s9;
	s10 =	sor.u32 s26, s24;
	v1 =	vld [tilespmem:s6+$0x0]  }
0x121: {  	s30 =	rddreg [dreg:$0x4];
	s9 =	sor.u32 s0, s24;
	v5 =	vld [tilespmem:s10+$0x0]  }
0x122: {  	[dreg:$0x7] =	wrdreg s3;
	s3 =	sadd.s32 s24, s30;
	v6 =	vld [tilespmem:s9+$0x0]  }
0x123: {  	s15 =	sadd.s32 s25, s3;
	v2 =	vld [tilespmem:s8+$0x0]  }
0x124: {  	s14 =	sadd.s32 s5, s3;
	[tilespmem:s15+$0x0] =	vst.add.f32.msk $0xffff, v3  }
0x125: {  	[tilespmem:s14+$0x0] =	vst.add.f32.msk $0xffff, v4  }
0x126: {  	v3 =	vld [tilespmem:s29+$0x10]  }
0x127: {  	s13 =	sadd.s32 s26, s3;
	v4 =	vld [tilespmem:s11+$0x10]  }
0x128: {  	s0 =	sadd.s32 s0, s3;
	[tilespmem:s13+$0x0] =	vst.add.f32.msk $0xffff, v5  }
0x129: {  	[tilespmem:s0+$0x0] =	vst.add.f32.msk $0xffff, v6  }
0x12a: {  	v5 =	vld [tilespmem:s10+$0x10]  }
0x12b: {  	v6 =	vld [tilespmem:s9+$0x10]  }
0x12c: {  	[tilespmem:s15+$0x10] =	vst.add.f32.msk $0xffff, v3  }
0x12d: {  	[tilespmem:s14+$0x10] =	vst.add.f32.msk $0xffff, v4  }
0x12e: {  	v3 =	vld [tilespmem:s29+$0x20]  }
0x12f: {  	v4 =	vld [tilespmem:s11+$0x20]  }
0x130: {  	[tilespmem:s13+$0x10] =	vst.add.f32.msk $0xffff, v5  }
0x131: {  	[tilespmem:s0+$0x10] =	vst.add.f32.msk $0xffff, v6  }
0x132: {  	v5 =	vld [tilespmem:s10+$0x20]  }
0x133: {  	[tilespmem:s15+$0x20] =	vst.add.f32.msk $0xffff, v3  }
0x134: {  	v3 =	vld [tilespmem:s29+$0x30]  }
0x135: {  	v6 =	vld [tilespmem:s9+$0x20]  }
0x136: {  	[tilespmem:s14+$0x20] =	vst.add.f32.msk $0xffff, v4  }
0x137: {  	v4 =	vld [tilespmem:s11+$0x30]  }
0x138: {  	[tilespmem:s13+$0x20] =	vst.add.f32.msk $0xffff, v5  }
0x139: {  	[tilespmem:s15+$0x30] =	vst.add.f32.msk $0xffff, v3  }
0x13a: {  	v3 =	vld [tilespmem:s29+$0x40]  }
0x13b: {  	[tilespmem:s0+$0x20] =	vst.add.f32.msk $0xffff, v6  }
0x13c: {  	v5 =	vld [tilespmem:s10+$0x30]  }
0x13d: {  	v6 =	vld [tilespmem:s9+$0x30]  }
0x13e: {  	[tilespmem:s14+$0x30] =	vst.add.f32.msk $0xffff, v4  }
0x13f: {  	[tilespmem:s15+$0x40] =	vst.add.f32.msk $0xffff, v3  }
0x140: {  	v3 =	vld [tilespmem:s29+$0x50]  }
0x141: {  	v4 =	vld [tilespmem:s11+$0x40]  }
0x142: {  	[tilespmem:s13+$0x30] =	vst.add.f32.msk $0xffff, v5  }
0x143: {  	[tilespmem:s0+$0x30] =	vst.add.f32.msk $0xffff, v6  }
0x144: {  	v5 =	vld [tilespmem:s10+$0x40]  }
0x145: {  	[tilespmem:s15+$0x50] =	vst.add.f32.msk $0xffff, v3  }
0x146: {  	v3 =	vld [tilespmem:s29+$0x60]  }
0x147: {  	v6 =	vld [tilespmem:s9+$0x40]  }
0x148: {  	[tilespmem:s14+$0x40] =	vst.add.f32.msk $0xffff, v4  }
0x149: {  	v4 =	vld [tilespmem:s11+$0x50]  }
0x14a: {  	[tilespmem:s13+$0x40] =	vst.add.f32.msk $0xffff, v5  }
0x14b: {  	[tilespmem:s15+$0x60] =	vst.add.f32.msk $0xffff, v3  }
0x14c: {  	v3 =	vld [tilespmem:s29+$0x70]  }
0x14d: {  	[tilespmem:s0+$0x40] =	vst.add.f32.msk $0xffff, v6  }
0x14e: {  	v5 =	vld [tilespmem:s10+$0x50]  }
0x14f: {  	v6 =	vld [tilespmem:s9+$0x50]  }
0x150: {  	[tilespmem:s14+$0x50] =	vst.add.f32.msk $0xffff, v4  }
0x151: {  	[tilespmem:s15+$0x70] =	vst.add.f32.msk $0xffff, v3  }
0x152: {  	v3 =	vld [tilespmem:s29+$0x400]  }
0x153: {  	v4 =	vld [tilespmem:s11+$0x60]  }
0x154: {  	[tilespmem:s13+$0x50] =	vst.add.f32.msk $0xffff, v5  }
0x155: {  	[tilespmem:s0+$0x50] =	vst.add.f32.msk $0xffff, v6  }
0x156: {  	v5 =	vld [tilespmem:s10+$0x60]  }
0x157: {  	[tilespmem:s15+$0x400] =	vst.add.f32.msk $0xffff, v3  }
0x158: {  	v3 =	vld [tilespmem:s29+$0x410]  }
0x159: {  	v6 =	vld [tilespmem:s9+$0x60]  }
0x15a: {  	[tilespmem:s14+$0x60] =	vst.add.f32.msk $0xffff, v4  }
0x15b: {  	v4 =	vld [tilespmem:s11+$0x70]  }
0x15c: {  	[tilespmem:s13+$0x60] =	vst.add.f32.msk $0xffff, v5  }
0x15d: {  	[tilespmem:s15+$0x410] =	vst.add.f32.msk $0xffff, v3  }
0x15e: {  	v3 =	vld [tilespmem:s29+$0x420]  }
0x15f: {  	[tilespmem:s0+$0x60] =	vst.add.f32.msk $0xffff, v6  }
0x160: {  	v5 =	vld [tilespmem:s10+$0x70]  }
0x161: {  	v6 =	vld [tilespmem:s9+$0x70]  }
0x162: {  	[tilespmem:s14+$0x70] =	vst.add.f32.msk $0xffff, v4  }
0x163: {  	[tilespmem:s15+$0x420] =	vst.add.f32.msk $0xffff, v3  }
0x164: {  	v3 =	vld [tilespmem:s29+$0x430]  }
0x165: {  	v4 =	vld [tilespmem:s11+$0x400]  }
0x166: {  	[tilespmem:s13+$0x70] =	vst.add.f32.msk $0xffff, v5  }
0x167: {  	[tilespmem:s0+$0x70] =	vst.add.f32.msk $0xffff, v6  }
0x168: {  	v5 =	vld [tilespmem:s10+$0x400]  }
0x169: {  	[tilespmem:s15+$0x430] =	vst.add.f32.msk $0xffff, v3  }
0x16a: {  	v3 =	vld [tilespmem:s29+$0x440]  }
0x16b: {  	v6 =	vld [tilespmem:s9+$0x400]  }
0x16c: {  	[tilespmem:s14+$0x400] =	vst.add.f32.msk $0xffff, v4  }
0x16d: {  	v4 =	vld [tilespmem:s11+$0x410]  }
0x16e: {  	[tilespmem:s13+$0x400] =	vst.add.f32.msk $0xffff, v5  }
0x16f: {  	[tilespmem:s15+$0x440] =	vst.add.f32.msk $0xffff, v3  }
0x170: {  	p0 =	por !p0, !p0;
	s3 =	rddreg [dreg:$0x3];
	v3 =	vld [tilespmem:s29+$0x450]  }
0x171: {  	s3 =	simm.s32 @!p0 $0x0;
	[tilespmem:s0+$0x400] =	vst.add.f32.msk $0xffff, v6  }
0x172: {  	s5 =	sshll.u32 s3, $0x9;
	v5 =	vld [tilespmem:s10+$0x410]  }
0x173: {  	[dreg:$0x8] =	wrdreg s7;
	s22 =	sadd.s32 s5, s28;
	v6 =	vld [tilespmem:s9+$0x410]  }
0x174: {  	[dreg:$0x6] =	wrdreg s4;
	s21 =	sadd.s32 $0x80, s22;
	[tilespmem:s14+$0x410] =	vst.add.f32.msk $0xffff, v4  }
0x175: {  	[dreg:$0x5] =	wrdreg s2;
	s20 =	sadd.s32 $0x100, s22;
	s8 =	sor.u32 $0x850, s21;
	[tilespmem:s15+$0x450] =	vst.add.f32.msk $0xffff, v3  }
0x176: {  	[smem:$0x7EA] =	sst s8;
	s8 =	sor.u32 $0x850, s20;
	v3 =	vld [tilespmem:s29+$0x460]  }
0x177: {  	[smem:$0x7EB] =	sst s8;
	s8 =	sor.u32 $0x850, s22;
	v4 =	vld [tilespmem:s11+$0x420]  }
0x178: {  	[smem:$0x7EC] =	sst s8;
	s8 =	sor.u32 $0x860, s21;
	[tilespmem:s13+$0x410] =	vst.add.f32.msk $0xffff, v5  }
0x179: {  	[smem:$0x7ED] =	sst s8;
	s8 =	sor.u32 $0x860, s22;
	[tilespmem:s0+$0x410] =	vst.add.f32.msk $0xffff, v6  }
0x17a: {  	[smem:$0x7EF] =	sst s8;
	s8 =	sor.u32 $0x870, s21;
	v5 =	vld [tilespmem:s10+$0x420]  }
0x17b: {  	[smem:$0x7F0] =	sst s8;
	s8 =	sor.u32 $0x860, s20;
	[tilespmem:s15+$0x460] =	vst.add.f32.msk $0xffff, v3  }
0x17c: {  	[smem:$0x7EE] =	sst s8;
	s8 =	sor.u32 $0x870, s22;
	v3 =	vld [tilespmem:s29+$0x470]  }
0x17d: {  	[dreg:$0x1f] =	wrdreg s8;
	s8 =	sor.u32 $0xC00, s21;
	v6 =	vld [tilespmem:s9+$0x420]  }
0x17e: {  	[dreg:$0x1e] =	wrdreg s8;
	s8 =	sor.u32 $0x870, s20;
	[tilespmem:s14+$0x420] =	vst.add.f32.msk $0xffff, v4  }
0x17f: {  	s25 =	sadd.s32 $0x180, s22;
	[smem:$0x7F1] =	sst s8;
	s8 =	sor.u32 $0xC00, s22;
	v4 =	vld [tilespmem:s11+$0x430]  }
0x180: {  	s4 =	sor.u32 $0x800, s22;
	[dreg:$0x1c] =	wrdreg s8;
	s8 =	sor.u32 $0xC10, s21;
	[tilespmem:s13+$0x420] =	vst.add.f32.msk $0xffff, v5  }
0x181: {  	s6 =	sor.u32 $0x800, s25;
	[dreg:$0x1b] =	wrdreg s8;
	s8 =	sor.u32 $0xC00, s20;
	[tilespmem:s15+$0x470] =	vst.add.f32.msk $0xffff, v3  }
0x182: {  	s19 =	sor.u32 $0x810, s22;
	[dreg:$0x1d] =	wrdreg s8;
	s8 =	sor.u32 $0xC10, s22;
	v3 =	vld [tilespmem:s6+$0x0]  }
0x183: {  	s26 =	sor.u32 $0x820, s22;
	[dreg:$0x18] =	wrdreg s8;
	s8 =	sor.u32 $0xC20, s21;
	[tilespmem:s0+$0x420] =	vst.add.f32.msk $0xffff, v6  }
0x184: {  	s30 =	sor.u32 $0x830, s22;
	[dreg:$0x17] =	wrdreg s8;
	s8 =	sor.u32 $0xC10, s20;
	v5 =	vld [tilespmem:s10+$0x430]  }
0x185: {  	s12 =	sor.u32 $0x840, s22;
	[dreg:$0x19] =	wrdreg s8;
	s8 =	sor.u32 $0xC20, s22;
	v6 =	vld [tilespmem:s9+$0x430]  }
0x186: {  	s7 =	sor.u32 $0x800, s21;
	[dreg:$0x15] =	wrdreg s8;
	s8 =	sor.u32 $0xC30, s21;
	[tilespmem:s14+$0x430] =	vst.add.f32.msk $0xffff, v4  }
0x187: {  	[dreg:$0x14] =	wrdreg s8;
	s8 =	sor.u32 $0xC20, s20;
	s6 =	sor.u32 $0x810, s25;
	[tilespmem:s15+$0x800] =	vst.add.f32.msk $0xffff, v3  }
0x188: {  	s5 =	sor.u32 $0x800, s20;
	[dreg:$0x16] =	wrdreg s8;
	s8 =	sor.u32 $0xC30, s22;
	v3 =	vld [tilespmem:s6+$0x0]  }
0x189: {  	s3 =	sor.u32 $0x810, s21;
	[dreg:$0x11] =	wrdreg s8;
	s8 =	sor.u32 $0xC30, s20;
	v4 =	vld [tilespmem:s11+$0x440]  }
0x18a: {  	s18 =	sor.u32 $0x810, s20;
	[dreg:$0x13] =	wrdreg s8;
	s8 =	sor.u32 $0xC40, s22;
	[tilespmem:s13+$0x430] =	vst.add.f32.msk $0xffff, v5  }
0x18b: {  	s23 =	sor.u32 $0x820, s21;
	[dreg:$0xe] =	wrdreg s8;
	s8 =	sor.u32 $0xC40, s21;
	[tilespmem:s0+$0x430] =	vst.add.f32.msk $0xffff, v6  }
0x18c: {  	s2 =	sor.u32 $0x820, s20;
	[dreg:$0x12] =	wrdreg s8;
	s8 =	sor.u32 $0xC40, s20;
	v5 =	vld [tilespmem:s10+$0x440]  }
0x18d: {  	[dreg:$0x10] =	wrdreg s8;
	s8 =	sor.u32 $0xC50, s22;
	s6 =	sor.u32 $0x820, s25;
	[tilespmem:s15+$0x810] =	vst.add.f32.msk $0xffff, v3  }
0x18e: {  	s24 =	sor.u32 $0x830, s21;
	[dreg:$0xb] =	wrdreg s8;
	s8 =	sor.u32 $0xC50, s21;
	v3 =	vld [tilespmem:s6+$0x0]  }
0x18f: {  	s17 =	sor.u32 $0x840, s21;
	[dreg:$0xf] =	wrdreg s8;
	s8 =	sor.u32 $0xC50, s20;
	v6 =	vld [tilespmem:s9+$0x440]  }
0x190: {  	[dreg:$0xd] =	wrdreg s8;
	s8 =	sor.u32 $0xC60, s22;
	s22 =	sor.u32 $0xC70, s22;
	[tilespmem:s14+$0x440] =	vst.add.f32.msk $0xffff, v4  }
0x191: {  	s16 =	sor.u32 $0x840, s20;
	[dreg:$0x1a] =	wrdreg s22;
	s22 =	sor.u32 $0xC70, s21;
	v4 =	vld [tilespmem:s11+$0x450]  }
0x192: {  	[tilespmem:s13+$0x440] =	vst.add.f32.msk $0xffff, v5;
	s29 =	sor.u32 $0x830, s20;
	s6 =	sor.u32 $0xC60, s21;
	s21 =	sor.u32 $0xC70, s20  }
0x193: {  	[dreg:$0xc] =	wrdreg s6;
	s6 =	sor.u32 $0xC60, s20;
	s20 =	sor.u32 $0x830, s25;
	[tilespmem:s15+$0x820] =	vst.add.f32.msk $0xffff, v3  }
0x194: {  	v3 =	vld [tilespmem:s20+$0x0]  }
0x195: {  	[tilespmem:s0+$0x440] =	vst.add.f32.msk $0xffff, v6  }
0x196: {  	v5 =	vld [tilespmem:s10+$0x450]  }
0x197: {  	v6 =	vld [tilespmem:s9+$0x450]  }
0x198: {  	[tilespmem:s14+$0x450] =	vst.add.f32.msk $0xffff, v4  }
0x199: {  	s20 =	sor.u32 $0x840, s25;
	[tilespmem:s15+$0x830] =	vst.add.f32.msk $0xffff, v3  }
0x19a: {  	v3 =	vld [tilespmem:s20+$0x0]  }
0x19b: {  	v4 =	vld [tilespmem:s11+$0x460]  }
0x19c: {  	[tilespmem:s13+$0x450] =	vst.add.f32.msk $0xffff, v5  }
0x19d: {  	[tilespmem:s0+$0x450] =	vst.add.f32.msk $0xffff, v6  }
0x19e: {  	v5 =	vld [tilespmem:s10+$0x460]  }
0x19f: {  	s20 =	sor.u32 $0x850, s25;
	[tilespmem:s15+$0x840] =	vst.add.f32.msk $0xffff, v3  }
0x1a0: {  	v3 =	vld [tilespmem:s20+$0x0]  }
0x1a1: {  	v6 =	vld [tilespmem:s9+$0x460]  }
0x1a2: {  	[tilespmem:s14+$0x460] =	vst.add.f32.msk $0xffff, v4  }
0x1a3: {  	v4 =	vld [tilespmem:s11+$0x470]  }
0x1a4: {  	[tilespmem:s13+$0x460] =	vst.add.f32.msk $0xffff, v5  }
0x1a5: {  	s20 =	sor.u32 $0x860, s25;
	[tilespmem:s15+$0x850] =	vst.add.f32.msk $0xffff, v3  }
0x1a6: {  	v3 =	vld [tilespmem:s20+$0x0]  }
0x1a7: {  	[tilespmem:s0+$0x460] =	vst.add.f32.msk $0xffff, v6  }
0x1a8: {  	v5 =	vld [tilespmem:s10+$0x470]  }
0x1a9: {  	v6 =	vld [tilespmem:s9+$0x470]  }
0x1aa: {  	[tilespmem:s14+$0x470] =	vst.add.f32.msk $0xffff, v4  }
0x1ab: {  	s20 =	sor.u32 $0x870, s25;
	[tilespmem:s15+$0x860] =	vst.add.f32.msk $0xffff, v3  }
0x1ac: {  	v3 =	vld [tilespmem:s20+$0x0]  }
0x1ad: {  	v4 =	vld [tilespmem:s7+$0x0]  }
0x1ae: {  	[tilespmem:s13+$0x470] =	vst.add.f32.msk $0xffff, v5  }
0x1af: {  	[tilespmem:s0+$0x470] =	vst.add.f32.msk $0xffff, v6  }
0x1b0: {  	v5 =	vld [tilespmem:s5+$0x0]  }
0x1b1: {  	s11 =	sor.u32 $0xC00, s25;
	[tilespmem:s15+$0x870] =	vst.add.f32.msk $0xffff, v3  }
0x1b2: {  	v3 =	vld [tilespmem:s11+$0x0]  }
0x1b3: {  	v6 =	vld [tilespmem:s4+$0x0]  }
0x1b4: {  	[tilespmem:s14+$0x800] =	vst.add.f32.msk $0xffff, v4  }
0x1b5: {  	v4 =	vld [tilespmem:s3+$0x0]  }
0x1b6: {  	[tilespmem:s13+$0x800] =	vst.add.f32.msk $0xffff, v5  }
0x1b7: {  	s20 =	sor.u32 $0xC10, s25;
	[tilespmem:s15+$0xC00] =	vst.add.f32.msk $0xffff, v3  }
0x1b8: {  	v3 =	vld [tilespmem:s20+$0x0]  }
0x1b9: {  	[tilespmem:s0+$0x800] =	vst.add.f32.msk $0xffff, v6  }
0x1ba: {  	v5 =	vld [tilespmem:s18+$0x0]  }
0x1bb: {  	v6 =	vld [tilespmem:s19+$0x0]  }
0x1bc: {  	[tilespmem:s14+$0x810] =	vst.add.f32.msk $0xffff, v4  }
0x1bd: {  	s4 =	sor.u32 $0xC20, s25;
	[tilespmem:s15+$0xC10] =	vst.add.f32.msk $0xffff, v3  }
0x1be: {  	v3 =	vld [tilespmem:s4+$0x0]  }
0x1bf: {  	v4 =	vld [tilespmem:s23+$0x0]  }
0x1c0: {  	[tilespmem:s13+$0x810] =	vst.add.f32.msk $0xffff, v5  }
0x1c1: {  	[tilespmem:s0+$0x810] =	vst.add.f32.msk $0xffff, v6  }
0x1c2: {  	v5 =	vld [tilespmem:s2+$0x0]  }
0x1c3: {  	s5 =	sor.u32 $0xC30, s25;
	[tilespmem:s15+$0xC20] =	vst.add.f32.msk $0xffff, v3  }
0x1c4: {  	v3 =	vld [tilespmem:s5+$0x0]  }
0x1c5: {  	v6 =	vld [tilespmem:s26+$0x0]  }
0x1c6: {  	[tilespmem:s14+$0x820] =	vst.add.f32.msk $0xffff, v4  }
0x1c7: {  	v4 =	vld [tilespmem:s24+$0x0]  }
0x1c8: {  	[tilespmem:s13+$0x820] =	vst.add.f32.msk $0xffff, v5  }
0x1c9: {  	s7 =	sor.u32 $0xC40, s25;
	[tilespmem:s15+$0xC30] =	vst.add.f32.msk $0xffff, v3  }
0x1ca: {  	v3 =	vld [tilespmem:s7+$0x0]  }
0x1cb: {  	[tilespmem:s0+$0x820] =	vst.add.f32.msk $0xffff, v6  }
0x1cc: {  	v5 =	vld [tilespmem:s29+$0x0]  }
0x1cd: {  	v6 =	vld [tilespmem:s30+$0x0]  }
0x1ce: {  	[tilespmem:s14+$0x830] =	vst.add.f32.msk $0xffff, v4  }
0x1cf: {  	s9 =	sor.u32 $0xC50, s25;
	[tilespmem:s15+$0xC40] =	vst.add.f32.msk $0xffff, v3  }
0x1d0: {  	v3 =	vld [tilespmem:s9+$0x0]  }
0x1d1: {  	v4 =	vld [tilespmem:s17+$0x0]  }
0x1d2: {  	[tilespmem:s13+$0x830] =	vst.add.f32.msk $0xffff, v5  }
0x1d3: {  	[tilespmem:s0+$0x830] =	vst.add.f32.msk $0xffff, v6  }
0x1d4: {  	v6 =	vld [tilespmem:s12+$0x0]  }
0x1d5: {  	s10 =	sor.u32 $0xC60, s25;
	[tilespmem:s15+$0xC50] =	vst.add.f32.msk $0xffff, v3  }
0x1d6: {  	s12 =	sld [smem:$0x7EA];
	v3 =	vld [tilespmem:s10+$0x0]  }
0x1d7: {  	v5 =	vld [tilespmem:s16+$0x0]  }
0x1d8: {  	[tilespmem:s14+$0x840] =	vst.add.f32.msk $0xffff, v4  }
0x1d9: {  	v4 =	vld [tilespmem:s12+$0x0]  }
0x1da: {  	s16 =	sld [smem:$0x7EC];
	[tilespmem:s0+$0x840] =	vst.add.f32.msk $0xffff, v6  }
0x1db: {  	s11 =	sor.u32 $0xC70, s25;
	[tilespmem:s15+$0xC60] =	vst.add.f32.msk $0xffff, v3  }
0x1dc: {  	s17 =	sld [smem:$0x7ED];
	v3 =	vld [tilespmem:s11+$0x0]  }
0x1dd: {  	v61 =	vld [tilespmem:s16+$0x0];
	s9 =	rddreg [dreg:$0xa]  }
0x1de: {  	[tilespmem:s9+$0xC60] =	vst.add.f32.msk $0xffff, v0  }
0x1df: {  	[tilespmem:s14+$0x850] =	vst.add.f32.msk $0xffff, v4  }
0x1e0: {  	v0 =	vld [tilespmem:s17+$0x0]  }
0x1e1: {  	[tilespmem:s15+$0xC70] =	vst.add.f32.msk $0xffff, v3;
	s15 =	sld [smem:$0x7EB]  }
0x1e2: {  	s19 =	sld [smem:$0x7EF];
	[tilespmem:s13+$0x840] =	vst.add.f32.msk $0xffff, v5  }
0x1e3: {  	[tilespmem:s0+$0x850] =	vst.add.f32.msk $0xffff, v61  }
0x1e4: {  	s20 =	sld [smem:$0x7F0];
	v3 =	vld [tilespmem:s15+$0x0]  }
0x1e5: {  	v62 =	vld [tilespmem:s19+$0x0]  }
0x1e6: {  	[tilespmem:s14+$0x860] =	vst.add.f32.msk $0xffff, v0  }
0x1e7: {  	s18 =	sld [smem:$0x7EE];
	v0 =	vld [tilespmem:s20+$0x0];
	_ =	sdelay $0x1  }
0x1e8: {  	[tilespmem:s13+$0x850] =	vst.add.f32.msk $0xffff, v3  }
0x1e9: {  	v3 =	vld [tilespmem:s18+$0x0]  }
0x1ea: {  	[tilespmem:s0+$0x860] =	vst.add.f32.msk $0xffff, v62  }
0x1eb: {  	s25 =	rddreg [dreg:$0x1e];
	[tilespmem:s14+$0x870] =	vst.add.f32.msk $0xffff, v0  }
0x1ec: {  	s7 =	rddreg [dreg:$0x9];
	v0 =	vld [tilespmem:s25+$0x0]  }
0x1ed: {  	s23 =	sld [smem:$0x7F1];
	[tilespmem:s7+$0xC60] =	vst.add.f32.msk $0xffff, v1  }
0x1ee: {  	s24 =	rddreg [dreg:$0x1f];
	[tilespmem:s13+$0x860] =	vst.add.f32.msk $0xffff, v3  }
0x1ef: {  	v3 =	vld [tilespmem:s24+$0x0]  }
0x1f0: {  	v1 =	vld [tilespmem:s23+$0x0]  }
0x1f1: {  	s30 =	rddreg [dreg:$0x1b];
	[tilespmem:s14+$0xC00] =	vst.add.f32.msk $0xffff, v0  }
0x1f2: {  	s5 =	rddreg [dreg:$0x8];
	v0 =	vld [tilespmem:s30+$0x0]  }
0x1f3: {  	[tilespmem:s5+$0xC60] =	vst.add.f32.msk $0xffff, v2  }
0x1f4: {  	[tilespmem:s0+$0x870] =	vst.add.f32.msk $0xffff, v3  }
0x1f5: {  	s29 =	rddreg [dreg:$0x1c];
	[tilespmem:s13+$0x870] =	vst.add.f32.msk $0xffff, v1  }
0x1f6: {  	s26 =	rddreg [dreg:$0x1d];
	v2 =	vld [tilespmem:s29+$0x0]  }
0x1f7: {  	s3 =	rddreg [dreg:$0x7];
	v1 =	vld [tilespmem:s26+$0x0]  }
0x1f8: {  	v3 =	vld [tilespmem:s3+$0x0]  }
0x1f9: {  	s11 =	rddreg [dreg:$0x17];
	[tilespmem:s14+$0xC10] =	vst.add.f32.msk $0xffff, v0  }
0x1fa: {  	v0 =	vld [tilespmem:s11+$0x0]  }
0x1fb: {  	[tilespmem:s0+$0xC00] =	vst.add.f32.msk $0xffff, v2  }
0x1fc: {  	s10 =	rddreg [dreg:$0x18];
	[tilespmem:s13+$0xC00] =	vst.add.f32.msk $0xffff, v1  }
0x1fd: {  	s4 =	rddreg [dreg:$0x19];
	v2 =	vld [tilespmem:s10+$0x0]  }
0x1fe: {  	v1 =	vld [tilespmem:s4+$0x0]  }
0x1ff: {  	s17 =	rddreg [dreg:$0x14];
	[tilespmem:s14+$0xC20] =	vst.add.f32.msk $0xffff, v0  }
0x200: {  	s12 =	rddreg [dreg:$0x6];
	v0 =	vld [tilespmem:s17+$0x0]  }
0x201: {  	v63 =	vld [tilespmem:s12+$0x0]  }
0x202: {  	[tilespmem:s0+$0xC10] =	vst.add.f32.msk $0xffff, v2  }
0x203: {  	s16 =	rddreg [dreg:$0x15];
	[tilespmem:s13+$0xC10] =	vst.add.f32.msk $0xffff, v1  }
0x204: {  	s15 =	rddreg [dreg:$0x16];
	v2 =	vld [tilespmem:s16+$0x0]  }
0x205: {  	v1 =	vld [tilespmem:s15+$0x0]  }
0x206: {  	s18 =	rddreg [dreg:$0x5];
	[tilespmem:s14+$0xC30] =	vst.add.f32.msk $0xffff, v0  }
0x207: {  	s3 =	smov.u32 s22;
	s22 =	rddreg [dreg:$0x12];
	v5 =	vld [tilespmem:s18+$0x0]  }
0x208: {  	v0 =	vld [tilespmem:s22+$0x0]  }
0x209: {  	[tilespmem:s0+$0xC20] =	vst.add.f32.msk $0xffff, v2  }
0x20a: {  	s4 =	smov.u32 s21;
	s21 =	rddreg [dreg:$0x11];
	[tilespmem:s13+$0xC20] =	vst.add.f32.msk $0xffff, v1  }
0x20b: {  	s20 =	rddreg [dreg:$0x13];
	v2 =	vld [tilespmem:s21+$0x0]  }
0x20c: {  	v1 =	vld [tilespmem:s20+$0x0]  }
0x20d: {  	s10 =	smov.u32 s14;
	[tilespmem:s9+$0xC70] =	vst.add.f32.msk $0xffff, v3  }
0x20e: {  	s25 =	rddreg [dreg:$0xf];
	[tilespmem:s10+$0xC40] =	vst.add.f32.msk $0xffff, v0  }
0x20f: {  	v0 =	vld [tilespmem:s25+$0x0]  }
0x210: {  	[tilespmem:s0+$0xC30] =	vst.add.f32.msk $0xffff, v2  }
0x211: {  	s24 =	rddreg [dreg:$0xe];
	[tilespmem:s13+$0xC30] =	vst.add.f32.msk $0xffff, v1  }
0x212: {  	s23 =	rddreg [dreg:$0x10];
	v2 =	vld [tilespmem:s24+$0x0]  }
0x213: {  	v1 =	vld [tilespmem:s23+$0x0]  }
0x214: {  	s30 =	rddreg [dreg:$0xc];
	[tilespmem:s10+$0xC50] =	vst.add.f32.msk $0xffff, v0  }
0x215: {  	s31 =	sadd.s32 $0x4, s31;
	v0 =	vld [tilespmem:s30+$0x0]  }
0x216: {  	p1 =	slt.u32 s31, $0x1C;
	[tilespmem:s7+$0xC70] =	vst.add.f32.msk $0xffff, v63  }
.Ltmp0:
0x217: {  	s9 =	smov.u32 s13;
	[tilespmem:s0+$0xC40] =	vst.add.f32.msk $0xffff, v2;
	(pc) =	sbr.rel @p1 .LBB2_3-.Ltmp0, $4  }
0x218: {  	s29 =	rddreg [dreg:$0xb];
	[tilespmem:s9+$0xC40] =	vst.add.f32.msk $0xffff, v1  }
0x219: {  	s19 =	rddreg [dreg:$0x1a];
	v1 =	vld [tilespmem:s29+$0x0]  }
0x21a: {  	s26 =	rddreg [dreg:$0xd];
	[tilespmem:s5+$0xC70] =	vst.add.f32.msk $0xffff, v5  }
0x21b: {  	s1 =	sadd.s32 $0x200, s1;
	s2 =	smov.u32 s19;
	s7 =	smov.u32 s0;
	v2 =	vld [tilespmem:s26+$0x0]  }
0x21c: {  	_ =	sdelay $0x1  }
0x21d: {  	[tilespmem:s7+$0xC50] =	vst.add.f32.msk $0xffff, v1  }
0x21e: {  	v63 =	vld [tilespmem:s8+$0x0]  }
0x21f: {  	[tilespmem:s9+$0xC50] =	vst.add.f32.msk $0xffff, v2  }
0x220: {  	v62 =	vld [tilespmem:s6+$0x0]  }
0x221: {  	[tilespmem:s10+$0xC60] =	vst.add.f32.msk $0xffff, v0  }
0x222: {  	v0 =	vld [tilespmem:s3+$0x0]  }
0x223: {  	[tilespmem:s7+$0xC60] =	vst.add.f32.msk $0xffff, v63  }
0x224: {  	v2 =	vld [tilespmem:s2+$0x0]  }
0x225: {  	[tilespmem:s9+$0xC60] =	vst.add.f32.msk $0xffff, v62  }
0x226: {  	v1 =	vld [tilespmem:s4+$0x0]  }
0x227: {  	s28 =	sld [smem:$0x7F2];
	_ =	sdelay $0x1  }
0x228: {  	[tilespmem:s10+$0xC70] =	vst.add.f32.msk $0xffff, v0  }
0x229: {  	s29 =	sld [smem:$0x7F6];
	s0 =	sadd.s32 $0xFFFFFFFF, s28;
	[tilespmem:s7+$0xC70] =	vst.add.f32.msk $0xffff, v2  }
0x22a: {  	s1 =	smul.u32 $0x61000, s28;
	p0 =	sgt.u32 s0, $0x3C;
	[tilespmem:s9+$0xC70] =	vst.add.f32.msk $0xffff, v1  }
0x22b: {  	s2 =	smul.u32 @!p0 $0xAB, s0;
	s30 =	sld [smem:$0x7F3]  }
0x22c: {  	s5 =	sld [smem:$0x7F5]  }
0x22d: {  	s31 =	simm.s32 $0x0;
	s3 =	sadd.s32 s29, s1;
	s2 =	sshrl.u32 @!p0 s2, $0x9  }
0x22e: {  	s3 =	sshrl.u32 s3, $0x3;
	s7 =	rddreg [dreg:$0x4];
	s2 =	sand.u32 @!p0 $0x7F, s2  }
0x22f: {  	s4 =	sadd.s32 $0x4, s30;
	s3 =	sadd.s32 s5, s3;
	s2 =	smul.u32 @!p0 $0x3, s2  }
0x230: {  	[hbm4b:s3+s31] =	stream.linear.scatter [tilespmem:s7], [sflag:s4], $0x4000, $0x38;
	[tilespmem:$0x10000] =	vst v63  }
0x231: {  	s0 =	ssub.s32 @!p0 s0, s2  }
0x232: {  	s0 =	sand.u32 @!p0 $0xFF, s0  }
0x233: {  	s2 =	sor.u32 @!p0 $0x4, s0  }
0x234: {  	_ =	swait.ge @!p0 [sflag:s2], $0x4000  }
0x235: {  	[sflag:s2] =	ssyncset.done @!p0 $0x0  }
0x236: {  	[sflag:s2] =	ssyncadd.s32 @!p0 $0xFFFFC000;
	s2 =	sld [smem:$0x7FA];
	_ =	sdelay $0x1  }
0x237: {  	s3 =	sld [smem:$0x7FB]  }
0x238: {  	s6 =	sadd.s32 $0x1, s28;
	s1 =	sadd.s32 @!p0 s1, s2  }
0x239: {  	s2 =	sadd.s32 @!p0 $0x1, s0;
	s0 =	sshll.u32 @!p0 s0, $0xE;
	s1 =	sshrl.u32 @!p0 s1, $0x3  }
0x23a: {  	s0 =	sadd.s32 @!p0 $0x4000, s0;
	s1 =	sadd.s32 @!p0 s3, s1;
	s3 =	simm.s32 @!p0 $0x0  }
0x23b: {  	[tilespmem:s0], [sflag:s2] =	stream.linear.gather @!p0 [hbm4b:s1+s3], $0x4000, $0x38;
	[tilespmem:$0x10000] =	vst v63  }
0x23c: {  	p0 =	sne.s32 s6, $0x40  }
.Ltmp1:
0x23d: {  	_ = 	snop;
	(pc) =	sbr.rel @p0 .LBB2_2-.Ltmp1, $1  }
0x23e: {  	_ =	sdelay $0x3  }
0x23f: {  	s0 =	simm.s32 $0x5  }
0x240: {  	_ =	swait.ge [sflag:s0], $0x4000  }
0x241: {  	[sflag:s0] =	ssyncset.done $0x0  }
0x242: {  	s30 =	simm.s32 $0x6;
	[sflag:s0] =	ssyncadd.s32 $0xFFFFC000  }
0x243: {  	_ =	swait.ge [sflag:s30], $0x4000  }
0x244: {  	[sflag:s30] =	ssyncset.done $0x0  }
0x245: {  	s1 =	simm.s32 $0x4;
	[sflag:s30] =	ssyncadd.s32 $0xFFFFC000  }
0x246: {  	_ =	swait.ge [sflag:s1], $0x4000  }
0x247: {  	s2 =	sld [smem:$0x7F4]  }
0x248: {  	s31 =	sld [smem:$0x7FD];
	_ =	sdelay $0x1  }
0x249: {  	s2 =	sadd.s32 $0x1, s2  }
0x24a: {  	p0 =	sne.s32 s2, s31  }
.Ltmp2:
0x24b: {  	_ = 	snop;
	(pc) =	sbr.rel @p0 .LBB2_1-.Ltmp2, $3  }
0x24c: {  	_ =	sdelay $0x1  }
0x24d: {  	[sflag:s1] =	ssyncset.done $0x0  }
0x24e: {  	[sflag:s1] =	ssyncadd.s32 $0xFFFFC000  }
0x24f: {  	_ =	sfence.sel $0x180000  }
0x250: {  	[bflag:$0x0] =	sbarrier.arrive $0xFFFF  }
0x251: {  	_ =	strace $0x90000047  }
0x252: {  	s0 =	stileid.u32;
	[bflag:$0x2] =	sbarrier.arrive $0xFFFF  }
0x253: {  	p0 =	sne.s32 s0, $0x0;
	s0 =	rddreg [dreg:$0x2]  }
0x254: {  	s0 =	sadd.s32 @!p0 $0x100000, s0  }
0x255: {  	[sflag:s0] =	ssyncadd.tile.s32 @!p0 $0x1;
	_ =	shalt  }
.Lfunc_end2:
_tile_overlayer_lowered:
.L_overlay_start_2:
0x256: {  	(tag) =	ssettag $0x2  }
0x257: {  	s0 =	rddreg [dreg:$0x0];
	s2 =	stileid.u32  }
0x258: {  	s1 =	rddreg [dreg:$0x1];
	p0 =	sne.s32 s2, $0x0  }
0x259: {  	s3 =	rddreg [dreg:$0x2];
	[bflag:$0x3] =	sbarrier.arrive $0xFFFF;
	s2 =	simm.s32 @!p0 $0x1C07  }
0x25a: {  	[timem:s3], [sflag:s2] =	dma.local @!p0 [hbm:s0], s1  }
0x25b: {  	s0 =	simm.s32 @!p0 $0x7  }
0x25c: {  	_ =	swait.ge @!p0 [sflag:s0], s1  }
0x25d: {  	s1 =	ssub.s32 @!p0 $0x0, s1;
	[sflag:s0] =	ssyncset.done @!p0 $0x0  }
0x25e: {  	[sflag:s0] =	ssyncadd.s32 @!p0 s1  }
0x25f: {  	[bflag:$0x3] =	sbarrier.arrive $0xFFFF  }
0x260: {  	_ =	shalt  }

</sc_bundles>
